<compile_context>
chip_gen: v7x
topology: tpu7x:2x2x1
jax: 0.10.2.dev20260603
libtpu: 0.0.44.dev20260713+nightly
codegen_flags: <defaults>
</compile_context>

<pallas_src>
import functools

import jax
import jax.numpy as jnp
from jax import lax
from jax.experimental import pallas as pl
from jax.experimental.pallas import tpu as pltpu
from jax.experimental.pallas import tpu_sc as plsc

N_NODES = 10000
N_EDGES = 320000
D = 128

NC = 2
NS = 16
NW = NC * NS
CHUNK = 128
EDGES_PER_TILE = N_EDGES // NW
NCHUNK = 80
HALF = NCHUNK // 2
NPAIR_H = HALF // 2
ACC_ROWS = 10240
ROW_BLOCK = 2000


def _make_scatter_kernel():
    mesh = plsc.VectorSubcoreMesh(core_axis_name="c", subcore_axis_name="s")

    @functools.partial(
        pl.kernel,
        mesh=mesh,
        out_type=jax.ShapeDtypeStruct((NC, ACC_ROWS, D), jnp.float32),
        scratch_types=[
            pltpu.VMEM((HALF, CHUNK), jnp.int32),
            pltpu.VMEM((HALF, CHUNK), jnp.int32),
            pltpu.VMEM((CHUNK, D), jnp.float32),
            pltpu.VMEM((CHUNK, D), jnp.float32),
            pltpu.VMEM_SHARED((ACC_ROWS, D), jnp.float32),
            pltpu.SemaphoreType.DMA,
            pltpu.SemaphoreType.DMA,
        ],
    )
    def scatter_kernel(src_hbm, dst_hbm, x_hbm, out_hbm,
                       src_v, dst_v, rows0, rows1, acc, sem0a, sem1a):
        cid = lax.axis_index("c")
        sid = lax.axis_index("s")
        wid = sid * NC + cid

        idx_cp0 = pltpu.async_copy(
            src_hbm.at[wid, pl.ds(0, HALF)], src_v, sem0a)
        idx_cp1 = pltpu.async_copy(
            dst_hbm.at[wid, pl.ds(0, HALF)], dst_v, sem1a)

        zeros16 = jnp.zeros((16,), jnp.float32)

        def zrow(i, carry):
            for j in range(D // 16):
                rows0[i, pl.ds(j * 16, 16)] = zeros16
            return carry

        lax.fori_loop(0, CHUNK, zrow, 0)
        idx_cp0.wait()
        idx_cp1.wait()
        rows_per_tile = ACC_ROWS // NS

        def zacc(k, carry):
            pltpu.sync_copy(
                rows0, acc.at[pl.ds(sid * rows_per_tile + k * CHUNK, CHUNK)])
            return carry

        lax.fori_loop(0, rows_per_tile // CHUNK, zacc, 0)
        pltpu.async_copy(x_hbm.at[src_v.at[0]], rows0, sem0a)
        plsc.subcore_barrier()

        for h in range(NCHUNK // HALF):
            if h > 0:
                pltpu.sync_copy(src_hbm.at[wid, pl.ds(h * HALF, HALF)], src_v)
                pltpu.sync_copy(dst_hbm.at[wid, pl.ds(h * HALF, HALF)], dst_v)
                pltpu.async_copy(x_hbm.at[src_v.at[0]], rows0, sem0a)

            def step(k, carry):
                j0 = 2 * k
                j1 = j0 + 1
                pltpu.make_async_copy(
                    x_hbm.at[src_v.at[j0]], rows0, sem0a).wait()
                pltpu.async_copy(x_hbm.at[src_v.at[j1]], rows1, sem1a)
                pltpu.sync_copy(rows0, acc.at[dst_v.at[j0]], add=True)

                @pl.when(k < NPAIR_H - 1)
                def _():
                    pltpu.async_copy(x_hbm.at[src_v.at[j0 + 2]], rows0, sem0a)

                pltpu.make_async_copy(
                    x_hbm.at[src_v.at[j1]], rows1, sem1a).wait()
                pltpu.sync_copy(rows1, acc.at[dst_v.at[j1]], add=True)
                return carry

            lax.fori_loop(0, NPAIR_H, step, 0)
        plsc.subcore_barrier()

        pltpu.sync_copy(
            acc.at[pl.ds(sid * rows_per_tile, rows_per_tile)],
            out_hbm.at[cid, pl.ds(sid * rows_per_tile, rows_per_tile)])

    return scatter_kernel


_scatter = _make_scatter_kernel()


def _combine_body(p_ref, w_ref, b_ref, o_ref):
    agg = p_ref[0] + p_ref[1]
    o_ref[...] = (
        jnp.dot(agg, w_ref[...], preferred_element_type=jnp.float32)
        + b_ref[...])


_combine = pl.pallas_call(
    _combine_body,
    grid=(N_NODES // ROW_BLOCK,),
    in_specs=[
        pl.BlockSpec((NC, ROW_BLOCK, D), lambda i: (0, i, 0)),
        pl.BlockSpec((D, D), lambda i: (0, 0)),
        pl.BlockSpec((1, D), lambda i: (0, 0)),
    ],
    out_specs=pl.BlockSpec((ROW_BLOCK, D), lambda i: (i, 0)),
    out_shape=jax.ShapeDtypeStruct((N_NODES, D), jnp.float32),
)


def kernel(x, edge_index, W, b):
    ei = edge_index.astype(jnp.int32)
    ppt = NCHUNK * CHUNK - EDGES_PER_TILE
    lane = jnp.arange(ppt, dtype=jnp.int32)[None, :]
    tile = jnp.arange(NW, dtype=jnp.int32)[:, None]
    pad_src = (tile * 113 + lane * 89) % N_NODES
    pad_dst = N_NODES + (tile * 7 + lane) % (ACC_ROWS - N_NODES)
    src = jnp.concatenate(
        [ei[0].reshape(NW, EDGES_PER_TILE), pad_src], axis=1
    ).reshape(NW, NCHUNK, CHUNK)
    dst = jnp.concatenate(
        [ei[1].reshape(NW, EDGES_PER_TILE), pad_dst], axis=1
    ).reshape(NW, NCHUNK, CHUNK)
    partials = _scatter(src, dst, x)
    return _combine(partials, W, b.reshape(1, D))

# --- scband reference (transcript-rebuilt; emitter-appended) ---
"""Pipeline reference for scband-gcnsingle-layer-13280038879717 (READ-ONLY COPY).

The authoritative reference and input builder live on the scoring server;
editing this copy changes nothing except your own understanding.
"""

import jax, jax.numpy as jnp
import numpy as np

N_NODES = 10000
N_EDGES = 320000
D_IN = 128
D_OUT = 128

def setup_inputs(seed: int = 0) -> dict:
    key = jax.random.key(seed)
    k1, k2, k3 = jax.random.split(key, 3)
    x = jax.random.normal(k1, (N_NODES, D_IN), dtype=jnp.float32)
    edge_index = jax.random.randint(k2, (2, N_EDGES), 0, N_NODES, dtype=jnp.int64)
    # GCNConv linear weight (glorot-style init), stored as [in, out] for x @ W
    limit = float(np.sqrt(6.0 / (D_IN + D_OUT)))
    W = jax.random.uniform(k3, (D_IN, D_OUT), dtype=jnp.float32, minval=-limit, maxval=limit)
    # bias initialized to zeros per bias_init=torch.nn.init.zeros_
    b = jnp.zeros((D_OUT,), dtype=jnp.float32)
    return {"x": x, "edge_index": edge_index, "W": W, "b": b}

def reference(x, edge_index, W, b):
    # GCNConv with normalize=False, add_self_loops=False:
    # 1) linear transform
    h = x @ W
    # 2) message passing: sum messages from source nodes into destination nodes
    src = edge_index[0]
    dst = edge_index[1]
    msgs = jnp.take(h, src, axis=0)                      # gather: [E, D_OUT]
    out = jnp.zeros((N_NODES, D_OUT), dtype=h.dtype).at[dst].add(msgs)  # scatter-add
    # 3) bias
    out = out + b
    return out

if __name__ == "__main__":
    import jax
    _d = setup_inputs()
    print(jax.jit(kernel)(*tuple(_d.values())))

</pallas_src>

<mosaic_0001>
#map = affine_map<(d0, d1) -> (0, 0, 0)>
#map1 = affine_map<(d0, d1) -> (0, 0)>
module attributes {stable_mosaic.version = 14 : i64} {
  func.func @scatter_kernel(%arg0: i32, %arg1: i32, %arg2: memref<32x80x128xi32, #tpu.memory_space<hbm>>, %arg3: memref<32x80x128xi32, #tpu.memory_space<hbm>>, %arg4: memref<10000x128xf32, #tpu.memory_space<hbm>>, %arg5: memref<2x10240x128xf32, #tpu.memory_space<hbm>>, %arg6: memref<40x128xi32, #tpu.memory_space<vmem>>, %arg7: memref<40x128xi32, #tpu.memory_space<vmem>>, %arg8: memref<128x128xf32, #tpu.memory_space<vmem>>, %arg9: memref<128x128xf32, #tpu.memory_space<vmem>>, %arg10: memref<10240x128xf32, #tpu.memory_space<vmem_shared>>, %arg11: memref<!tpu.dma_semaphore, #tpu.memory_space<semaphore_mem>>, %arg12: memref<!tpu.dma_semaphore, #tpu.memory_space<semaphore_mem>>) attributes {dimension_semantics = [#tpu.dimension_semantics<core_parallel>, #tpu.dimension_semantics<subcore_parallel>], iteration_bounds = array<i64: 2, 16>, scalar_prefetch = 0 : i64, scratch_operands = 7 : i64, tpu.core_type = #tpu.core_type<sc_vector_subcore>, window_params = [{transform_indices = #map}, {transform_indices = #map}, {transform_indices = #map1}, {transform_indices = #map}]} {
    %mul3A = arith.constant 2 : i32
    %mul3A_0 = arith.muli %arg1, %mul3A : i32
    %add3A = arith.addi %mul3A_0, %arg0 : i32
    %dma_start3A = arith.constant 0 : i32
    %dma_start3A_1 = arith.constant 0 : i32
    %dma_start3A_2 = tpu.memref_slice %arg2[%add3A, %dma_start3A, %dma_start3A_1] : memref<32x80x128xi32, #tpu.memory_space<hbm>> -> memref<1x40x128xi32, #tpu.memory_space<hbm>>
    %dma_start3A_3 = tpu.memref_squeeze %dma_start3A_2 : memref<1x40x128xi32, #tpu.memory_space<hbm>> -> memref<40x128xi32, #tpu.memory_space<hbm>>
    %dma_start3A_4 = arith.constant 0 : i32
    %dma_start3A_5 = arith.constant 0 : i32
    %dma_start3A_6 = tpu.memref_slice %arg2[%add3A, %dma_start3A_4, %dma_start3A_5] : memref<32x80x128xi32, #tpu.memory_space<hbm>> -> memref<1x40x128xi32, #tpu.memory_space<hbm>>
    %dma_start3A_7 = tpu.memref_squeeze %dma_start3A_6 : memref<1x40x128xi32, #tpu.memory_space<hbm>> -> memref<40x128xi32, #tpu.memory_space<hbm>>
    tpu.enqueue_dma source(%dma_start3A_7 : memref<40x128xi32, #tpu.memory_space<hbm>>) target(%arg6 : memref<40x128xi32, #tpu.memory_space<vmem>>) target_semaphore(%arg11 : memref<!tpu.dma_semaphore, #tpu.memory_space<semaphore_mem>>)
    %dma_start3A_8 = arith.constant 0 : i32
    %dma_start3A_9 = arith.constant 0 : i32
    %dma_start3A_10 = tpu.memref_slice %arg3[%add3A, %dma_start3A_8, %dma_start3A_9] : memref<32x80x128xi32, #tpu.memory_space<hbm>> -> memref<1x40x128xi32, #tpu.memory_space<hbm>>
    %dma_start3A_11 = tpu.memref_squeeze %dma_start3A_10 : memref<1x40x128xi32, #tpu.memory_space<hbm>> -> memref<40x128xi32, #tpu.memory_space<hbm>>
    %dma_start3A_12 = arith.constant 0 : i32
    %dma_start3A_13 = arith.constant 0 : i32
    %dma_start3A_14 = tpu.memref_slice %arg3[%add3A, %dma_start3A_12, %dma_start3A_13] : memref<32x80x128xi32, #tpu.memory_space<hbm>> -> memref<1x40x128xi32, #tpu.memory_space<hbm>>
    %dma_start3A_15 = tpu.memref_squeeze %dma_start3A_14 : memref<1x40x128xi32, #tpu.memory_space<hbm>> -> memref<40x128xi32, #tpu.memory_space<hbm>>
    tpu.enqueue_dma source(%dma_start3A_15 : memref<40x128xi32, #tpu.memory_space<hbm>>) target(%arg7 : memref<40x128xi32, #tpu.memory_space<vmem>>) target_semaphore(%arg12 : memref<!tpu.dma_semaphore, #tpu.memory_space<semaphore_mem>>)
    %broadcast_in_dim3A = arith.constant 0.000000e+00 : f32
    %broadcast_in_dim3A_16 = vector.broadcast %broadcast_in_dim3A : f32 to vector<16xf32>
    %scan3A = arith.constant 0 : i32
    %scan3A_17 = arith.constant 0 : i32
    %scan3A_18 = arith.constant 128 : i32
    %scan3A_19 = arith.addi %scan3A_17, %scan3A_18 : i32
    %scan3A_20 = arith.constant 1 : i32
    scf.for %scan3A_74 = %scan3A_17 to %scan3A_19 step %scan3A_20  : i32 {
      %swap3A = arith.index_cast %scan3A_74 : i32 to index
      %swap3A_75 = arith.constant 0 : index
      %swap3A_76 = tpu.vector_load %arg8[%swap3A, %swap3A_75] {strides = array<i32>} : memref<128x128xf32, #tpu.memory_space<vmem>>, vector<1x16xf32>,
      %swap3A_77 = vector.shape_cast %swap3A_76 : vector<1x16xf32> to vector<16xf32>
      %swap3A_78 = vector.shape_cast %broadcast_in_dim3A_16 : vector<16xf32> to vector<1x16xf32>
      tpu.vector_store %arg8[%swap3A, %swap3A_75], %swap3A_78 {strides = array<i32>} : memref<128x128xf32, #tpu.memory_space<vmem>>, vector<1x16xf32>,
      %swap3A_79 = arith.index_cast %scan3A_74 : i32 to index
      %swap3A_80 = arith.constant 16 : index
      %swap3A_81 = tpu.vector_load %arg8[%swap3A_79, %swap3A_80] {strides = array<i32>} : memref<128x128xf32, #tpu.memory_space<vmem>>, vector<1x16xf32>,
      %swap3A_82 = vector.shape_cast %swap3A_81 : vector<1x16xf32> to vector<16xf32>
      %swap3A_83 = vector.shape_cast %broadcast_in_dim3A_16 : vector<16xf32> to vector<1x16xf32>
      tpu.vector_store %arg8[%swap3A_79, %swap3A_80], %swap3A_83 {strides = array<i32>} : memref<128x128xf32, #tpu.memory_space<vmem>>, vector<1x16xf32>,
      %swap3A_84 = arith.index_cast %scan3A_74 : i32 to index
      %swap3A_85 = arith.constant 32 : index
      %swap3A_86 = tpu.vector_load %arg8[%swap3A_84, %swap3A_85] {strides = array<i32>} : memref<128x128xf32, #tpu.memory_space<vmem>>, vector<1x16xf32>,
      %swap3A_87 = vector.shape_cast %swap3A_86 : vector<1x16xf32> to vector<16xf32>
      %swap3A_88 = vector.shape_cast %broadcast_in_dim3A_16 : vector<16xf32> to vector<1x16xf32>
      tpu.vector_store %arg8[%swap3A_84, %swap3A_85], %swap3A_88 {strides = array<i32>} : memref<128x128xf32, #tpu.memory_space<vmem>>, vector<1x16xf32>,
      %swap3A_89 = arith.index_cast %scan3A_74 : i32 to index
      %swap3A_90 = arith.constant 48 : index
      %swap3A_91 = tpu.vector_load %arg8[%swap3A_89, %swap3A_90] {strides = array<i32>} : memref<128x128xf32, #tpu.memory_space<vmem>>, vector<1x16xf32>,
      %swap3A_92 = vector.shape_cast %swap3A_91 : vector<1x16xf32> to vector<16xf32>
      %swap3A_93 = vector.shape_cast %broadcast_in_dim3A_16 : vector<16xf32> to vector<1x16xf32>
      tpu.vector_store %arg8[%swap3A_89, %swap3A_90], %swap3A_93 {strides = array<i32>} : memref<128x128xf32, #tpu.memory_space<vmem>>, vector<1x16xf32>,
      %swap3A_94 = arith.index_cast %scan3A_74 : i32 to index
      %swap3A_95 = arith.constant 64 : index
      %swap3A_96 = tpu.vector_load %arg8[%swap3A_94, %swap3A_95] {strides = array<i32>} : memref<128x128xf32, #tpu.memory_space<vmem>>, vector<1x16xf32>,
      %swap3A_97 = vector.shape_cast %swap3A_96 : vector<1x16xf32> to vector<16xf32>
      %swap3A_98 = vector.shape_cast %broadcast_in_dim3A_16 : vector<16xf32> to vector<1x16xf32>
      tpu.vector_store %arg8[%swap3A_94, %swap3A_95], %swap3A_98 {strides = array<i32>} : memref<128x128xf32, #tpu.memory_space<vmem>>, vector<1x16xf32>,
      %swap3A_99 = arith.index_cast %scan3A_74 : i32 to index
      %swap3A_100 = arith.constant 80 : index
      %swap3A_101 = tpu.vector_load %arg8[%swap3A_99, %swap3A_100] {strides = array<i32>} : memref<128x128xf32, #tpu.memory_space<vmem>>, vector<1x16xf32>,
      %swap3A_102 = vector.shape_cast %swap3A_101 : vector<1x16xf32> to vector<16xf32>
      %swap3A_103 = vector.shape_cast %broadcast_in_dim3A_16 : vector<16xf32> to vector<1x16xf32>
      tpu.vector_store %arg8[%swap3A_99, %swap3A_100], %swap3A_103 {strides = array<i32>} : memref<128x128xf32, #tpu.memory_space<vmem>>, vector<1x16xf32>,
      %swap3A_104 = arith.index_cast %scan3A_74 : i32 to index
      %swap3A_105 = arith.constant 96 : index
      %swap3A_106 = tpu.vector_load %arg8[%swap3A_104, %swap3A_105] {strides = array<i32>} : memref<128x128xf32, #tpu.memory_space<vmem>>, vector<1x16xf32>,
      %swap3A_107 = vector.shape_cast %swap3A_106 : vector<1x16xf32> to vector<16xf32>
      %swap3A_108 = vector.shape_cast %broadcast_in_dim3A_16 : vector<16xf32> to vector<1x16xf32>
      tpu.vector_store %arg8[%swap3A_104, %swap3A_105], %swap3A_108 {strides = array<i32>} : memref<128x128xf32, #tpu.memory_space<vmem>>, vector<1x16xf32>,
      %swap3A_109 = arith.index_cast %scan3A_74 : i32 to index
      %swap3A_110 = arith.constant 112 : index
      %swap3A_111 = tpu.vector_load %arg8[%swap3A_109, %swap3A_110] {strides = array<i32>} : memref<128x128xf32, #tpu.memory_space<vmem>>, vector<1x16xf32>,
      %swap3A_112 = vector.shape_cast %swap3A_111 : vector<1x16xf32> to vector<16xf32>
      %swap3A_113 = vector.shape_cast %broadcast_in_dim3A_16 : vector<16xf32> to vector<1x16xf32>
      tpu.vector_store %arg8[%swap3A_109, %swap3A_110], %swap3A_113 {strides = array<i32>} : memref<128x128xf32, #tpu.memory_space<vmem>>, vector<1x16xf32>,
    }
    %scan3A_21 = arith.constant 128 : i32
    %dma_wait3A = arith.constant 0 : i32
    %dma_wait3A_22 = arith.constant 0 : i32
    %dma_wait3A_23 = tpu.memref_slice %arg2[%add3A, %dma_wait3A, %dma_wait3A_22] : memref<32x80x128xi32, #tpu.memory_space<hbm>> -> memref<1x40x128xi32, #tpu.memory_space<hbm>>
    %dma_wait3A_24 = tpu.memref_squeeze %dma_wait3A_23 : memref<1x40x128xi32, #tpu.memory_space<hbm>> -> memref<40x128xi32, #tpu.memory_space<hbm>>
    %dma_wait3A_25 = arith.constant 0 : i32
    %dma_wait3A_26 = arith.constant 0 : i32
    %dma_wait3A_27 = tpu.memref_slice %arg2[%add3A, %dma_wait3A_25, %dma_wait3A_26] : memref<32x80x128xi32, #tpu.memory_space<hbm>> -> memref<1x40x128xi32, #tpu.memory_space<hbm>>
    %dma_wait3A_28 = tpu.memref_squeeze %dma_wait3A_27 : memref<1x40x128xi32, #tpu.memory_space<hbm>> -> memref<40x128xi32, #tpu.memory_space<hbm>>
    tpu.wait_dma2 semaphore(%arg11 : memref<!tpu.dma_semaphore, #tpu.memory_space<semaphore_mem>>) src(%dma_wait3A_28 : memref<40x128xi32, #tpu.memory_space<hbm>>) dst(%arg6 : memref<40x128xi32, #tpu.memory_space<vmem>>)
    %dma_wait3A_29 = arith.constant 0 : i32
    %dma_wait3A_30 = arith.constant 0 : i32
    %dma_wait3A_31 = tpu.memref_slice %arg3[%add3A, %dma_wait3A_29, %dma_wait3A_30] : memref<32x80x128xi32, #tpu.memory_space<hbm>> -> memref<1x40x128xi32, #tpu.memory_space<hbm>>
    %dma_wait3A_32 = tpu.memref_squeeze %dma_wait3A_31 : memref<1x40x128xi32, #tpu.memory_space<hbm>> -> memref<40x128xi32, #tpu.memory_space<hbm>>
    %dma_wait3A_33 = arith.constant 0 : i32
    %dma_wait3A_34 = arith.constant 0 : i32
    %dma_wait3A_35 = tpu.memref_slice %arg3[%add3A, %dma_wait3A_33, %dma_wait3A_34] : memref<32x80x128xi32, #tpu.memory_space<hbm>> -> memref<1x40x128xi32, #tpu.memory_space<hbm>>
    %dma_wait3A_36 = tpu.memref_squeeze %dma_wait3A_35 : memref<1x40x128xi32, #tpu.memory_space<hbm>> -> memref<40x128xi32, #tpu.memory_space<hbm>>
    tpu.wait_dma2 semaphore(%arg12 : memref<!tpu.dma_semaphore, #tpu.memory_space<semaphore_mem>>) src(%dma_wait3A_36 : memref<40x128xi32, #tpu.memory_space<hbm>>) dst(%arg7 : memref<40x128xi32, #tpu.memory_space<vmem>>)
    %scan3A_37 = arith.constant 0 : i32
    %scan3A_38 = arith.constant 0 : i32
    %scan3A_39 = arith.constant 5 : i32
    %scan3A_40 = arith.addi %scan3A_38, %scan3A_39 : i32
    %scan3A_41 = arith.constant 1 : i32
    scf.for %scan3A_74 = %scan3A_38 to %scan3A_40 step %scan3A_41  : i32 {
      %mul3A_75 = arith.constant 640 : i32
      %mul3A_76 = arith.muli %arg1, %mul3A_75 : i32
      %mul3A_77 = arith.constant 128 : i32
      %mul3A_78 = arith.muli %scan3A_74, %mul3A_77 : i32
      %add3A_79 = arith.addi %mul3A_76, %mul3A_78 : i32
      "tpu.region"() ({
        %run_scoped3A = tpu.sem_alloc : memref<!tpu.dma_semaphore, #tpu.memory_space<semaphore_mem>>
        %dma_start3A_80 = arith.constant 0 : i32
        %dma_start3A_81 = tpu.memref_slice %arg10[%add3A_79, %dma_start3A_80] : memref<10240x128xf32, #tpu.memory_space<vmem_shared>> -> memref<128x128xf32, #tpu.memory_space<vmem_shared>>
        %dma_start3A_82 = arith.constant 0 : i32
        %dma_start3A_83 = tpu.memref_slice %arg10[%add3A_79, %dma_start3A_82] : memref<10240x128xf32, #tpu.memory_space<vmem_shared>> -> memref<128x128xf32, #tpu.memory_space<vmem_shared>>
        tpu.enqueue_dma source(%arg8 : memref<128x128xf32, #tpu.memory_space<vmem>>) target(%dma_start3A_83 : memref<128x128xf32, #tpu.memory_space<vmem_shared>>) target_semaphore(%run_scoped3A : memref<!tpu.dma_semaphore, #tpu.memory_space<semaphore_mem>>)
        %dma_wait3A_84 = arith.constant 0 : i32
        %dma_wait3A_85 = tpu.memref_slice %arg10[%add3A_79, %dma_wait3A_84] : memref<10240x128xf32, #tpu.memory_space<vmem_shared>> -> memref<128x128xf32, #tpu.memory_space<vmem_shared>>
        %dma_wait3A_86 = arith.constant 0 : i32
        %dma_wait3A_87 = tpu.memref_slice %arg10[%add3A_79, %dma_wait3A_86] : memref<10240x128xf32, #tpu.memory_space<vmem_shared>> -> memref<128x128xf32, #tpu.memory_space<vmem_shared>>
        tpu.wait_dma2 semaphore(%run_scoped3A : memref<!tpu.dma_semaphore, #tpu.memory_space<semaphore_mem>>) src(%arg8 : memref<128x128xf32, #tpu.memory_space<vmem>>) dst(%dma_wait3A_87 : memref<128x128xf32, #tpu.memory_space<vmem_shared>>)
        tpu.yield
      }) : () -> ()
    }
    %scan3A_42 = arith.constant 5 : i32
    %dma_start3A_43 = arith.constant 0 : i32
    %dma_start3A_44 = arith.constant 0 : i32
    %dma_start3A_45 = tpu.memref_slice %arg6[%dma_start3A_43, %dma_start3A_44] : memref<40x128xi32, #tpu.memory_space<vmem>> -> memref<1x128xi32, #tpu.memory_space<vmem>>
    %dma_start3A_46 = tpu.memref_squeeze %dma_start3A_45 : memref<1x128xi32, #tpu.memory_space<vmem>> -> memref<128xi32, #tpu.memory_space<vmem>>
    %dma_start3A_47 = arith.constant 0 : i32
    %dma_start3A_48 = arith.constant 0 : i32
    %dma_start3A_49 = tpu.memref_slice %arg4[%dma_start3A_47, %dma_start3A_48] : memref<10000x128xf32, #tpu.memory_space<hbm>> -> memref<10000x128xf32, #tpu.memory_space<hbm>>
    tpu.enqueue_indirect_dma source(%dma_start3A_49 : memref<10000x128xf32, #tpu.memory_space<hbm>>) target(%arg8 : memref<128x128xf32, #tpu.memory_space<vmem>>) offsets(%dma_start3A_46 : memref<128xi32, #tpu.memory_space<vmem>>) semaphore(%arg11 : memref<!tpu.dma_semaphore, #tpu.memory_space<semaphore_mem>>)
    %barrier3A = arith.constant 0 : index
    tpu.barrier barrier_id(%barrier3A)
    %scan3A_50 = arith.constant 0 : i32
    %scan3A_51 = arith.constant 0 : i32
    %scan3A_52 = arith.constant 20 : i32
    %scan3A_53 = arith.addi %scan3A_51, %scan3A_52 : i32
    %scan3A_54 = arith.constant 1 : i32
    scf.for %scan3A_74 = %scan3A_51 to %scan3A_53 step %scan3A_54  : i32 {
      %mul3A_75 = arith.constant 2 : i32
      %mul3A_76 = arith.muli %mul3A_75, %scan3A_74 : i32
      %add3A_77 = arith.constant 1 : i32
      %add3A_78 = arith.addi %mul3A_76, %add3A_77 : i32
      %dma_wait3A_79 = arith.constant 0 : i32
      %dma_wait3A_80 = tpu.memref_slice %arg6[%mul3A_76, %dma_wait3A_79] : memref<40x128xi32, #tpu.memory_space<vmem>> -> memref<1x128xi32, #tpu.memory_space<vmem>>
      %dma_wait3A_81 = tpu.memref_squeeze %dma_wait3A_80 : memref<1x128xi32, #tpu.memory_space<vmem>> -> memref<128xi32, #tpu.memory_space<vmem>>
      %dma_wait3A_82 = arith.constant 0 : i32
      %dma_wait3A_83 = arith.constant 0 : i32
      %dma_wait3A_84 = tpu.memref_slice %arg4[%dma_wait3A_82, %dma_wait3A_83] : memref<10000x128xf32, #tpu.memory_space<hbm>> -> memref<10000x128xf32, #tpu.memory_space<hbm>>
      tpu.wait_indirect_dma semaphore(%arg11 : memref<!tpu.dma_semaphore, #tpu.memory_space<semaphore_mem>>) src(%dma_wait3A_84 : memref<10000x128xf32, #tpu.memory_space<hbm>>) dst(%arg8 : memref<128x128xf32, #tpu.memory_space<vmem>>)
      %dma_start3A_85 = arith.constant 0 : i32
      %dma_start3A_86 = tpu.memref_slice %arg6[%add3A_78, %dma_start3A_85] : memref<40x128xi32, #tpu.memory_space<vmem>> -> memref<1x128xi32, #tpu.memory_space<vmem>>
      %dma_start3A_87 = tpu.memref_squeeze %dma_start3A_86 : memref<1x128xi32, #tpu.memory_space<vmem>> -> memref<128xi32, #tpu.memory_space<vmem>>
      %dma_start3A_88 = arith.constant 0 : i32
      %dma_start3A_89 = arith.constant 0 : i32
      %dma_start3A_90 = tpu.memref_slice %arg4[%dma_start3A_88, %dma_start3A_89] : memref<10000x128xf32, #tpu.memory_space<hbm>> -> memref<10000x128xf32, #tpu.memory_space<hbm>>
      tpu.enqueue_indirect_dma source(%dma_start3A_90 : memref<10000x128xf32, #tpu.memory_space<hbm>>) target(%arg9 : memref<128x128xf32, #tpu.memory_space<vmem>>) offsets(%dma_start3A_87 : memref<128xi32, #tpu.memory_space<vmem>>) semaphore(%arg12 : memref<!tpu.dma_semaphore, #tpu.memory_space<semaphore_mem>>)
      "tpu.region"() ({
        %run_scoped3A = tpu.sem_alloc : memref<!tpu.dma_semaphore, #tpu.memory_space<semaphore_mem>>
        %dma_start3A_99 = arith.constant 0 : i32
        %dma_start3A_100 = tpu.memref_slice %arg7[%mul3A_76, %dma_start3A_99] : memref<40x128xi32, #tpu.memory_space<vmem>> -> memref<1x128xi32, #tpu.memory_space<vmem>>
        %dma_start3A_101 = tpu.memref_squeeze %dma_start3A_100 : memref<1x128xi32, #tpu.memory_space<vmem>> -> memref<128xi32, #tpu.memory_space<vmem>>
        %dma_start3A_102 = arith.constant 0 : i32
        %dma_start3A_103 = arith.constant 0 : i32
        %dma_start3A_104 = tpu.memref_slice %arg10[%dma_start3A_102, %dma_start3A_103] : memref<10240x128xf32, #tpu.memory_space<vmem_shared>> -> memref<10240x128xf32, #tpu.memory_space<vmem_shared>>
        tpu.enqueue_indirect_dma source(%arg8 : memref<128x128xf32, #tpu.memory_space<vmem>>) target(%dma_start3A_104 : memref<10240x128xf32, #tpu.memory_space<vmem_shared>>) offsets(%dma_start3A_101 : memref<128xi32, #tpu.memory_space<vmem>>) semaphore(%run_scoped3A : memref<!tpu.dma_semaphore, #tpu.memory_space<semaphore_mem>>) {add = true}
        %dma_wait3A_105 = arith.constant 0 : i32
        %dma_wait3A_106 = tpu.memref_slice %arg7[%mul3A_76, %dma_wait3A_105] : memref<40x128xi32, #tpu.memory_space<vmem>> -> memref<1x128xi32, #tpu.memory_space<vmem>>
        %dma_wait3A_107 = tpu.memref_squeeze %dma_wait3A_106 : memref<1x128xi32, #tpu.memory_space<vmem>> -> memref<128xi32, #tpu.memory_space<vmem>>
        %dma_wait3A_108 = arith.constant 0 : i32
        %dma_wait3A_109 = arith.constant 0 : i32
        %dma_wait3A_110 = tpu.memref_slice %arg10[%dma_wait3A_108, %dma_wait3A_109] : memref<10240x128xf32, #tpu.memory_space<vmem_shared>> -> memref<10240x128xf32, #tpu.memory_space<vmem_shared>>
        tpu.wait_indirect_dma semaphore(%run_scoped3A : memref<!tpu.dma_semaphore, #tpu.memory_space<semaphore_mem>>) src(%arg8 : memref<128x128xf32, #tpu.memory_space<vmem>>) dst(%dma_wait3A_110 : memref<10240x128xf32, #tpu.memory_space<vmem_shared>>)
        tpu.yield
      }) : () -> ()
      %lt3A = arith.constant 19 : i32
      %lt3A_91 = arith.cmpi slt, %scan3A_74, %lt3A : i32
      %convert_element_type3A = arith.extui %lt3A_91 : i1 to i32
      %cond3A = arith.constant 0 : i32
      %cond3A_92 = arith.cmpi ne, %convert_element_type3A, %cond3A : i32
      scf.if %cond3A_92 {
        %add3A_99 = arith.constant 2 : i32
        %add3A_100 = arith.addi %mul3A_76, %add3A_99 : i32
        %dma_start3A_101 = arith.constant 0 : i32
        %dma_start3A_102 = tpu.memref_slice %arg6[%add3A_100, %dma_start3A_101] : memref<40x128xi32, #tpu.memory_space<vmem>> -> memref<1x128xi32, #tpu.memory_space<vmem>>
        %dma_start3A_103 = tpu.memref_squeeze %dma_start3A_102 : memref<1x128xi32, #tpu.memory_space<vmem>> -> memref<128xi32, #tpu.memory_space<vmem>>
        %dma_start3A_104 = arith.constant 0 : i32
        %dma_start3A_105 = arith.constant 0 : i32
        %dma_start3A_106 = tpu.memref_slice %arg4[%dma_start3A_104, %dma_start3A_105] : memref<10000x128xf32, #tpu.memory_space<hbm>> -> memref<10000x128xf32, #tpu.memory_space<hbm>>
        tpu.enqueue_indirect_dma source(%dma_start3A_106 : memref<10000x128xf32, #tpu.memory_space<hbm>>) target(%arg8 : memref<128x128xf32, #tpu.memory_space<vmem>>) offsets(%dma_start3A_103 : memref<128xi32, #tpu.memory_space<vmem>>) semaphore(%arg11 : memref<!tpu.dma_semaphore, #tpu.memory_space<semaphore_mem>>)
      } else {
      }
      %dma_wait3A_93 = arith.constant 0 : i32
      %dma_wait3A_94 = tpu.memref_slice %arg6[%add3A_78, %dma_wait3A_93] : memref<40x128xi32, #tpu.memory_space<vmem>> -> memref<1x128xi32, #tpu.memory_space<vmem>>
      %dma_wait3A_95 = tpu.memref_squeeze %dma_wait3A_94 : memref<1x128xi32, #tpu.memory_space<vmem>> -> memref<128xi32, #tpu.memory_space<vmem>>
      %dma_wait3A_96 = arith.constant 0 : i32
      %dma_wait3A_97 = arith.constant 0 : i32
      %dma_wait3A_98 = tpu.memref_slice %arg4[%dma_wait3A_96, %dma_wait3A_97] : memref<10000x128xf32, #tpu.memory_space<hbm>> -> memref<10000x128xf32, #tpu.memory_space<hbm>>
      tpu.wait_indirect_dma semaphore(%arg12 : memref<!tpu.dma_semaphore, #tpu.memory_space<semaphore_mem>>) src(%dma_wait3A_98 : memref<10000x128xf32, #tpu.memory_space<hbm>>) dst(%arg9 : memref<128x128xf32, #tpu.memory_space<vmem>>)
      "tpu.region"() ({
        %run_scoped3A = tpu.sem_alloc : memref<!tpu.dma_semaphore, #tpu.memory_space<semaphore_mem>>
        %dma_start3A_99 = arith.constant 0 : i32
        %dma_start3A_100 = tpu.memref_slice %arg7[%add3A_78, %dma_start3A_99] : memref<40x128xi32, #tpu.memory_space<vmem>> -> memref<1x128xi32, #tpu.memory_space<vmem>>
        %dma_start3A_101 = tpu.memref_squeeze %dma_start3A_100 : memref<1x128xi32, #tpu.memory_space<vmem>> -> memref<128xi32, #tpu.memory_space<vmem>>
        %dma_start3A_102 = arith.constant 0 : i32
        %dma_start3A_103 = arith.constant 0 : i32
        %dma_start3A_104 = tpu.memref_slice %arg10[%dma_start3A_102, %dma_start3A_103] : memref<10240x128xf32, #tpu.memory_space<vmem_shared>> -> memref<10240x128xf32, #tpu.memory_space<vmem_shared>>
        tpu.enqueue_indirect_dma source(%arg9 : memref<128x128xf32, #tpu.memory_space<vmem>>) target(%dma_start3A_104 : memref<10240x128xf32, #tpu.memory_space<vmem_shared>>) offsets(%dma_start3A_101 : memref<128xi32, #tpu.memory_space<vmem>>) semaphore(%run_scoped3A : memref<!tpu.dma_semaphore, #tpu.memory_space<semaphore_mem>>) {add = true}
        %dma_wait3A_105 = arith.constant 0 : i32
        %dma_wait3A_106 = tpu.memref_slice %arg7[%add3A_78, %dma_wait3A_105] : memref<40x128xi32, #tpu.memory_space<vmem>> -> memref<1x128xi32, #tpu.memory_space<vmem>>
        %dma_wait3A_107 = tpu.memref_squeeze %dma_wait3A_106 : memref<1x128xi32, #tpu.memory_space<vmem>> -> memref<128xi32, #tpu.memory_space<vmem>>
        %dma_wait3A_108 = arith.constant 0 : i32
        %dma_wait3A_109 = arith.constant 0 : i32
        %dma_wait3A_110 = tpu.memref_slice %arg10[%dma_wait3A_108, %dma_wait3A_109] : memref<10240x128xf32, #tpu.memory_space<vmem_shared>> -> memref<10240x128xf32, #tpu.memory_space<vmem_shared>>
        tpu.wait_indirect_dma semaphore(%run_scoped3A : memref<!tpu.dma_semaphore, #tpu.memory_space<semaphore_mem>>) src(%arg9 : memref<128x128xf32, #tpu.memory_space<vmem>>) dst(%dma_wait3A_110 : memref<10240x128xf32, #tpu.memory_space<vmem_shared>>)
        tpu.yield
      }) : () -> ()
    }
    %scan3A_55 = arith.constant 20 : i32
    "tpu.region"() ({
      %run_scoped3A = tpu.sem_alloc : memref<!tpu.dma_semaphore, #tpu.memory_space<semaphore_mem>>
      %dma_start3A_74 = arith.constant 40 : i32
      %dma_start3A_75 = arith.constant 0 : i32
      %dma_start3A_76 = tpu.memref_slice %arg2[%add3A, %dma_start3A_74, %dma_start3A_75] : memref<32x80x128xi32, #tpu.memory_space<hbm>> -> memref<1x40x128xi32, #tpu.memory_space<hbm>>
      %dma_start3A_77 = tpu.memref_squeeze %dma_start3A_76 : memref<1x40x128xi32, #tpu.memory_space<hbm>> -> memref<40x128xi32, #tpu.memory_space<hbm>>
      %dma_start3A_78 = arith.constant 40 : i32
      %dma_start3A_79 = arith.constant 0 : i32
      %dma_start3A_80 = tpu.memref_slice %arg2[%add3A, %dma_start3A_78, %dma_start3A_79] : memref<32x80x128xi32, #tpu.memory_space<hbm>> -> memref<1x40x128xi32, #tpu.memory_space<hbm>>
      %dma_start3A_81 = tpu.memref_squeeze %dma_start3A_80 : memref<1x40x128xi32, #tpu.memory_space<hbm>> -> memref<40x128xi32, #tpu.memory_space<hbm>>
      tpu.enqueue_dma source(%dma_start3A_81 : memref<40x128xi32, #tpu.memory_space<hbm>>) target(%arg6 : memref<40x128xi32, #tpu.memory_space<vmem>>) target_semaphore(%run_scoped3A : memref<!tpu.dma_semaphore, #tpu.memory_space<semaphore_mem>>)
      %dma_wait3A_82 = arith.constant 40 : i32
      %dma_wait3A_83 = arith.constant 0 : i32
      %dma_wait3A_84 = tpu.memref_slice %arg2[%add3A, %dma_wait3A_82, %dma_wait3A_83] : memref<32x80x128xi32, #tpu.memory_space<hbm>> -> memref<1x40x128xi32, #tpu.memory_space<hbm>>
      %dma_wait3A_85 = tpu.memref_squeeze %dma_wait3A_84 : memref<1x40x128xi32, #tpu.memory_space<hbm>> -> memref<40x128xi32, #tpu.memory_space<hbm>>
      %dma_wait3A_86 = arith.constant 40 : i32
      %dma_wait3A_87 = arith.constant 0 : i32
      %dma_wait3A_88 = tpu.memref_slice %arg2[%add3A, %dma_wait3A_86, %dma_wait3A_87] : memref<32x80x128xi32, #tpu.memory_space<hbm>> -> memref<1x40x128xi32, #tpu.memory_space<hbm>>
      %dma_wait3A_89 = tpu.memref_squeeze %dma_wait3A_88 : memref<1x40x128xi32, #tpu.memory_space<hbm>> -> memref<40x128xi32, #tpu.memory_space<hbm>>
      tpu.wait_dma2 semaphore(%run_scoped3A : memref<!tpu.dma_semaphore, #tpu.memory_space<semaphore_mem>>) src(%dma_wait3A_89 : memref<40x128xi32, #tpu.memory_space<hbm>>) dst(%arg6 : memref<40x128xi32, #tpu.memory_space<vmem>>)
      tpu.yield
    }) : () -> ()
    "tpu.region"() ({
      %run_scoped3A = tpu.sem_alloc : memref<!tpu.dma_semaphore, #tpu.memory_space<semaphore_mem>>
      %dma_start3A_74 = arith.constant 40 : i32
      %dma_start3A_75 = arith.constant 0 : i32
      %dma_start3A_76 = tpu.memref_slice %arg3[%add3A, %dma_start3A_74, %dma_start3A_75] : memref<32x80x128xi32, #tpu.memory_space<hbm>> -> memref<1x40x128xi32, #tpu.memory_space<hbm>>
      %dma_start3A_77 = tpu.memref_squeeze %dma_start3A_76 : memref<1x40x128xi32, #tpu.memory_space<hbm>> -> memref<40x128xi32, #tpu.memory_space<hbm>>
      %dma_start3A_78 = arith.constant 40 : i32
      %dma_start3A_79 = arith.constant 0 : i32
      %dma_start3A_80 = tpu.memref_slice %arg3[%add3A, %dma_start3A_78, %dma_start3A_79] : memref<32x80x128xi32, #tpu.memory_space<hbm>> -> memref<1x40x128xi32, #tpu.memory_space<hbm>>
      %dma_start3A_81 = tpu.memref_squeeze %dma_start3A_80 : memref<1x40x128xi32, #tpu.memory_space<hbm>> -> memref<40x128xi32, #tpu.memory_space<hbm>>
      tpu.enqueue_dma source(%dma_start3A_81 : memref<40x128xi32, #tpu.memory_space<hbm>>) target(%arg7 : memref<40x128xi32, #tpu.memory_space<vmem>>) target_semaphore(%run_scoped3A : memref<!tpu.dma_semaphore, #tpu.memory_space<semaphore_mem>>)
      %dma_wait3A_82 = arith.constant 40 : i32
      %dma_wait3A_83 = arith.constant 0 : i32
      %dma_wait3A_84 = tpu.memref_slice %arg3[%add3A, %dma_wait3A_82, %dma_wait3A_83] : memref<32x80x128xi32, #tpu.memory_space<hbm>> -> memref<1x40x128xi32, #tpu.memory_space<hbm>>
      %dma_wait3A_85 = tpu.memref_squeeze %dma_wait3A_84 : memref<1x40x128xi32, #tpu.memory_space<hbm>> -> memref<40x128xi32, #tpu.memory_space<hbm>>
      %dma_wait3A_86 = arith.constant 40 : i32
      %dma_wait3A_87 = arith.constant 0 : i32
      %dma_wait3A_88 = tpu.memref_slice %arg3[%add3A, %dma_wait3A_86, %dma_wait3A_87] : memref<32x80x128xi32, #tpu.memory_space<hbm>> -> memref<1x40x128xi32, #tpu.memory_space<hbm>>
      %dma_wait3A_89 = tpu.memref_squeeze %dma_wait3A_88 : memref<1x40x128xi32, #tpu.memory_space<hbm>> -> memref<40x128xi32, #tpu.memory_space<hbm>>
      tpu.wait_dma2 semaphore(%run_scoped3A : memref<!tpu.dma_semaphore, #tpu.memory_space<semaphore_mem>>) src(%dma_wait3A_89 : memref<40x128xi32, #tpu.memory_space<hbm>>) dst(%arg7 : memref<40x128xi32, #tpu.memory_space<vmem>>)
      tpu.yield
    }) : () -> ()
    %dma_start3A_56 = arith.constant 0 : i32
    %dma_start3A_57 = arith.constant 0 : i32
    %dma_start3A_58 = tpu.memref_slice %arg6[%dma_start3A_56, %dma_start3A_57] : memref<40x128xi32, #tpu.memory_space<vmem>> -> memref<1x128xi32, #tpu.memory_space<vmem>>
    %dma_start3A_59 = tpu.memref_squeeze %dma_start3A_58 : memref<1x128xi32, #tpu.memory_space<vmem>> -> memref<128xi32, #tpu.memory_space<vmem>>
    %dma_start3A_60 = arith.constant 0 : i32
    %dma_start3A_61 = arith.constant 0 : i32
    %dma_start3A_62 = tpu.memref_slice %arg4[%dma_start3A_60, %dma_start3A_61] : memref<10000x128xf32, #tpu.memory_space<hbm>> -> memref<10000x128xf32, #tpu.memory_space<hbm>>
    tpu.enqueue_indirect_dma source(%dma_start3A_62 : memref<10000x128xf32, #tpu.memory_space<hbm>>) target(%arg8 : memref<128x128xf32, #tpu.memory_space<vmem>>) offsets(%dma_start3A_59 : memref<128xi32, #tpu.memory_space<vmem>>) semaphore(%arg11 : memref<!tpu.dma_semaphore, #tpu.memory_space<semaphore_mem>>)
    %scan3A_63 = arith.constant 0 : i32
    %scan3A_64 = arith.constant 0 : i32
    %scan3A_65 = arith.constant 20 : i32
    %scan3A_66 = arith.addi %scan3A_64, %scan3A_65 : i32
    %scan3A_67 = arith.constant 1 : i32
    scf.for %scan3A_74 = %scan3A_64 to %scan3A_66 step %scan3A_67  : i32 {
      %mul3A_75 = arith.constant 2 : i32
      %mul3A_76 = arith.muli %mul3A_75, %scan3A_74 : i32
      %add3A_77 = arith.constant 1 : i32
      %add3A_78 = arith.addi %mul3A_76, %add3A_77 : i32
      %dma_wait3A_79 = arith.constant 0 : i32
      %dma_wait3A_80 = tpu.memref_slice %arg6[%mul3A_76, %dma_wait3A_79] : memref<40x128xi32, #tpu.memory_space<vmem>> -> memref<1x128xi32, #tpu.memory_space<vmem>>
      %dma_wait3A_81 = tpu.memref_squeeze %dma_wait3A_80 : memref<1x128xi32, #tpu.memory_space<vmem>> -> memref<128xi32, #tpu.memory_space<vmem>>
      %dma_wait3A_82 = arith.constant 0 : i32
      %dma_wait3A_83 = arith.constant 0 : i32
      %dma_wait3A_84 = tpu.memref_slice %arg4[%dma_wait3A_82, %dma_wait3A_83] : memref<10000x128xf32, #tpu.memory_space<hbm>> -> memref<10000x128xf32, #tpu.memory_space<hbm>>
      tpu.wait_indirect_dma semaphore(%arg11 : memref<!tpu.dma_semaphore, #tpu.memory_space<semaphore_mem>>) src(%dma_wait3A_84 : memref<10000x128xf32, #tpu.memory_space<hbm>>) dst(%arg8 : memref<128x128xf32, #tpu.memory_space<vmem>>)
      %dma_start3A_85 = arith.constant 0 : i32
      %dma_start3A_86 = tpu.memref_slice %arg6[%add3A_78, %dma_start3A_85] : memref<40x128xi32, #tpu.memory_space<vmem>> -> memref<1x128xi32, #tpu.memory_space<vmem>>
      %dma_start3A_87 = tpu.memref_squeeze %dma_start3A_86 : memref<1x128xi32, #tpu.memory_space<vmem>> -> memref<128xi32, #tpu.memory_space<vmem>>
      %dma_start3A_88 = arith.constant 0 : i32
      %dma_start3A_89 = arith.constant 0 : i32
      %dma_start3A_90 = tpu.memref_slice %arg4[%dma_start3A_88, %dma_start3A_89] : memref<10000x128xf32, #tpu.memory_space<hbm>> -> memref<10000x128xf32, #tpu.memory_space<hbm>>
      tpu.enqueue_indirect_dma source(%dma_start3A_90 : memref<10000x128xf32, #tpu.memory_space<hbm>>) target(%arg9 : memref<128x128xf32, #tpu.memory_space<vmem>>) offsets(%dma_start3A_87 : memref<128xi32, #tpu.memory_space<vmem>>) semaphore(%arg12 : memref<!tpu.dma_semaphore, #tpu.memory_space<semaphore_mem>>)
      "tpu.region"() ({
        %run_scoped3A = tpu.sem_alloc : memref<!tpu.dma_semaphore, #tpu.memory_space<semaphore_mem>>
        %dma_start3A_99 = arith.constant 0 : i32
        %dma_start3A_100 = tpu.memref_slice %arg7[%mul3A_76, %dma_start3A_99] : memref<40x128xi32, #tpu.memory_space<vmem>> -> memref<1x128xi32, #tpu.memory_space<vmem>>
        %dma_start3A_101 = tpu.memref_squeeze %dma_start3A_100 : memref<1x128xi32, #tpu.memory_space<vmem>> -> memref<128xi32, #tpu.memory_space<vmem>>
        %dma_start3A_102 = arith.constant 0 : i32
        %dma_start3A_103 = arith.constant 0 : i32
        %dma_start3A_104 = tpu.memref_slice %arg10[%dma_start3A_102, %dma_start3A_103] : memref<10240x128xf32, #tpu.memory_space<vmem_shared>> -> memref<10240x128xf32, #tpu.memory_space<vmem_shared>>
        tpu.enqueue_indirect_dma source(%arg8 : memref<128x128xf32, #tpu.memory_space<vmem>>) target(%dma_start3A_104 : memref<10240x128xf32, #tpu.memory_space<vmem_shared>>) offsets(%dma_start3A_101 : memref<128xi32, #tpu.memory_space<vmem>>) semaphore(%run_scoped3A : memref<!tpu.dma_semaphore, #tpu.memory_space<semaphore_mem>>) {add = true}
        %dma_wait3A_105 = arith.constant 0 : i32
        %dma_wait3A_106 = tpu.memref_slice %arg7[%mul3A_76, %dma_wait3A_105] : memref<40x128xi32, #tpu.memory_space<vmem>> -> memref<1x128xi32, #tpu.memory_space<vmem>>
        %dma_wait3A_107 = tpu.memref_squeeze %dma_wait3A_106 : memref<1x128xi32, #tpu.memory_space<vmem>> -> memref<128xi32, #tpu.memory_space<vmem>>
        %dma_wait3A_108 = arith.constant 0 : i32
        %dma_wait3A_109 = arith.constant 0 : i32
        %dma_wait3A_110 = tpu.memref_slice %arg10[%dma_wait3A_108, %dma_wait3A_109] : memref<10240x128xf32, #tpu.memory_space<vmem_shared>> -> memref<10240x128xf32, #tpu.memory_space<vmem_shared>>
        tpu.wait_indirect_dma semaphore(%run_scoped3A : memref<!tpu.dma_semaphore, #tpu.memory_space<semaphore_mem>>) src(%arg8 : memref<128x128xf32, #tpu.memory_space<vmem>>) dst(%dma_wait3A_110 : memref<10240x128xf32, #tpu.memory_space<vmem_shared>>)
        tpu.yield
      }) : () -> ()
      %lt3A = arith.constant 19 : i32
      %lt3A_91 = arith.cmpi slt, %scan3A_74, %lt3A : i32
      %convert_element_type3A = arith.extui %lt3A_91 : i1 to i32
      %cond3A = arith.constant 0 : i32
      %cond3A_92 = arith.cmpi ne, %convert_element_type3A, %cond3A : i32
      scf.if %cond3A_92 {
        %add3A_99 = arith.constant 2 : i32
        %add3A_100 = arith.addi %mul3A_76, %add3A_99 : i32
        %dma_start3A_101 = arith.constant 0 : i32
        %dma_start3A_102 = tpu.memref_slice %arg6[%add3A_100, %dma_start3A_101] : memref<40x128xi32, #tpu.memory_space<vmem>> -> memref<1x128xi32, #tpu.memory_space<vmem>>
        %dma_start3A_103 = tpu.memref_squeeze %dma_start3A_102 : memref<1x128xi32, #tpu.memory_space<vmem>> -> memref<128xi32, #tpu.memory_space<vmem>>
        %dma_start3A_104 = arith.constant 0 : i32
        %dma_start3A_105 = arith.constant 0 : i32
        %dma_start3A_106 = tpu.memref_slice %arg4[%dma_start3A_104, %dma_start3A_105] : memref<10000x128xf32, #tpu.memory_space<hbm>> -> memref<10000x128xf32, #tpu.memory_space<hbm>>
        tpu.enqueue_indirect_dma source(%dma_start3A_106 : memref<10000x128xf32, #tpu.memory_space<hbm>>) target(%arg8 : memref<128x128xf32, #tpu.memory_space<vmem>>) offsets(%dma_start3A_103 : memref<128xi32, #tpu.memory_space<vmem>>) semaphore(%arg11 : memref<!tpu.dma_semaphore, #tpu.memory_space<semaphore_mem>>)
      } else {
      }
      %dma_wait3A_93 = arith.constant 0 : i32
      %dma_wait3A_94 = tpu.memref_slice %arg6[%add3A_78, %dma_wait3A_93] : memref<40x128xi32, #tpu.memory_space<vmem>> -> memref<1x128xi32, #tpu.memory_space<vmem>>
      %dma_wait3A_95 = tpu.memref_squeeze %dma_wait3A_94 : memref<1x128xi32, #tpu.memory_space<vmem>> -> memref<128xi32, #tpu.memory_space<vmem>>
      %dma_wait3A_96 = arith.constant 0 : i32
      %dma_wait3A_97 = arith.constant 0 : i32
      %dma_wait3A_98 = tpu.memref_slice %arg4[%dma_wait3A_96, %dma_wait3A_97] : memref<10000x128xf32, #tpu.memory_space<hbm>> -> memref<10000x128xf32, #tpu.memory_space<hbm>>
      tpu.wait_indirect_dma semaphore(%arg12 : memref<!tpu.dma_semaphore, #tpu.memory_space<semaphore_mem>>) src(%dma_wait3A_98 : memref<10000x128xf32, #tpu.memory_space<hbm>>) dst(%arg9 : memref<128x128xf32, #tpu.memory_space<vmem>>)
      "tpu.region"() ({
        %run_scoped3A = tpu.sem_alloc : memref<!tpu.dma_semaphore, #tpu.memory_space<semaphore_mem>>
        %dma_start3A_99 = arith.constant 0 : i32
        %dma_start3A_100 = tpu.memref_slice %arg7[%add3A_78, %dma_start3A_99] : memref<40x128xi32, #tpu.memory_space<vmem>> -> memref<1x128xi32, #tpu.memory_space<vmem>>
        %dma_start3A_101 = tpu.memref_squeeze %dma_start3A_100 : memref<1x128xi32, #tpu.memory_space<vmem>> -> memref<128xi32, #tpu.memory_space<vmem>>
        %dma_start3A_102 = arith.constant 0 : i32
        %dma_start3A_103 = arith.constant 0 : i32
        %dma_start3A_104 = tpu.memref_slice %arg10[%dma_start3A_102, %dma_start3A_103] : memref<10240x128xf32, #tpu.memory_space<vmem_shared>> -> memref<10240x128xf32, #tpu.memory_space<vmem_shared>>
        tpu.enqueue_indirect_dma source(%arg9 : memref<128x128xf32, #tpu.memory_space<vmem>>) target(%dma_start3A_104 : memref<10240x128xf32, #tpu.memory_space<vmem_shared>>) offsets(%dma_start3A_101 : memref<128xi32, #tpu.memory_space<vmem>>) semaphore(%run_scoped3A : memref<!tpu.dma_semaphore, #tpu.memory_space<semaphore_mem>>) {add = true}
        %dma_wait3A_105 = arith.constant 0 : i32
        %dma_wait3A_106 = tpu.memref_slice %arg7[%add3A_78, %dma_wait3A_105] : memref<40x128xi32, #tpu.memory_space<vmem>> -> memref<1x128xi32, #tpu.memory_space<vmem>>
        %dma_wait3A_107 = tpu.memref_squeeze %dma_wait3A_106 : memref<1x128xi32, #tpu.memory_space<vmem>> -> memref<128xi32, #tpu.memory_space<vmem>>
        %dma_wait3A_108 = arith.constant 0 : i32
        %dma_wait3A_109 = arith.constant 0 : i32
        %dma_wait3A_110 = tpu.memref_slice %arg10[%dma_wait3A_108, %dma_wait3A_109] : memref<10240x128xf32, #tpu.memory_space<vmem_shared>> -> memref<10240x128xf32, #tpu.memory_space<vmem_shared>>
        tpu.wait_indirect_dma semaphore(%run_scoped3A : memref<!tpu.dma_semaphore, #tpu.memory_space<semaphore_mem>>) src(%arg9 : memref<128x128xf32, #tpu.memory_space<vmem>>) dst(%dma_wait3A_110 : memref<10240x128xf32, #tpu.memory_space<vmem_shared>>)
        tpu.yield
      }) : () -> ()
    }
    %scan3A_68 = arith.constant 20 : i32
    %barrier3A_69 = arith.constant 0 : index
    tpu.barrier barrier_id(%barrier3A_69)
    %mul3A_70 = arith.constant 640 : i32
    %mul3A_71 = arith.muli %arg1, %mul3A_70 : i32
    %mul3A_72 = arith.constant 640 : i32
    %mul3A_73 = arith.muli %arg1, %mul3A_72 : i32
    "tpu.region"() ({
      %run_scoped3A = tpu.sem_alloc : memref<!tpu.dma_semaphore, #tpu.memory_space<semaphore_mem>>
      %dma_start3A_74 = arith.constant 0 : i32
      %dma_start3A_75 = tpu.memref_slice %arg5[%arg0, %mul3A_73, %dma_start3A_74] : memref<2x10240x128xf32, #tpu.memory_space<hbm>> -> memref<1x640x128xf32, #tpu.memory_space<hbm>>
      %dma_start3A_76 = tpu.memref_squeeze %dma_start3A_75 : memref<1x640x128xf32, #tpu.memory_space<hbm>> -> memref<640x128xf32, #tpu.memory_space<hbm>>
      %dma_start3A_77 = arith.constant 0 : i32
      %dma_start3A_78 = tpu.memref_slice %arg10[%mul3A_71, %dma_start3A_77] : memref<10240x128xf32, #tpu.memory_space<vmem_shared>> -> memref<640x128xf32, #tpu.memory_space<vmem_shared>>
      tpu.enqueue_dma source(%dma_start3A_78 : memref<640x128xf32, #tpu.memory_space<vmem_shared>>) target(%dma_start3A_76 : memref<640x128xf32, #tpu.memory_space<hbm>>) target_semaphore(%run_scoped3A : memref<!tpu.dma_semaphore, #tpu.memory_space<semaphore_mem>>)
      %dma_wait3A_79 = arith.constant 0 : i32
      %dma_wait3A_80 = tpu.memref_slice %arg5[%arg0, %mul3A_73, %dma_wait3A_79] : memref<2x10240x128xf32, #tpu.memory_space<hbm>> -> memref<1x640x128xf32, #tpu.memory_space<hbm>>
      %dma_wait3A_81 = tpu.memref_squeeze %dma_wait3A_80 : memref<1x640x128xf32, #tpu.memory_space<hbm>> -> memref<640x128xf32, #tpu.memory_space<hbm>>
      %dma_wait3A_82 = arith.constant 0 : i32
      %dma_wait3A_83 = tpu.memref_slice %arg10[%mul3A_71, %dma_wait3A_82] : memref<10240x128xf32, #tpu.memory_space<vmem_shared>> -> memref<640x128xf32, #tpu.memory_space<vmem_shared>>
      tpu.wait_dma2 semaphore(%run_scoped3A : memref<!tpu.dma_semaphore, #tpu.memory_space<semaphore_mem>>) src(%dma_wait3A_83 : memref<640x128xf32, #tpu.memory_space<vmem_shared>>) dst(%dma_wait3A_81 : memref<640x128xf32, #tpu.memory_space<hbm>>)
      tpu.yield
    }) : () -> ()
    return
  }
}

module attributes {stable_mosaic.version = 14 : i64} {
  func.func @_combine_body(%arg0: i32, %arg1: memref<2x2000x128xf32, #tpu.memory_space<vmem>>, %arg2: memref<128x128xf32, #tpu.memory_space<vmem>>, %arg3: memref<1x128xf32, #tpu.memory_space<vmem>>, %arg4: memref<2000x128xf32, #tpu.memory_space<vmem>>) attributes {dimension_semantics = [#tpu.dimension_semantics<arbitrary>], iteration_bounds = array<i64: 5>, scalar_prefetch = 0 : i64, scratch_operands = 0 : i64, tpu.core_type = #tpu.core_type<tc>, window_params = [{transform_indices = @transform_0, window_bounds = array<i64: 2, 2000, 128>}, {pipeline_mode = #tpu.pipeline_mode<synchronous>, transform_indices = @transform_1, window_bounds = array<i64: 128, 128>}, {pipeline_mode = #tpu.pipeline_mode<synchronous>, transform_indices = @transform_2, window_bounds = array<i64: 1, 128>}, {transform_indices = @transform_3, window_bounds = array<i64: 2000, 128>}]} {
    %get3A = arith.constant 0 : index
    %get3A_0 = arith.constant 0 : index
    %get3A_1 = arith.constant 0 : index
    %get3A_2 = vector.load %arg1[%get3A, %get3A_0, %get3A_1] : memref<2x2000x128xf32, #tpu.memory_space<vmem>>, vector<1x2000x128xf32>
    %get3A_3 = vector.shape_cast %get3A_2 : vector<1x2000x128xf32> to vector<2000x128xf32>
    %get3A_4 = arith.constant 1 : index
    %get3A_5 = arith.constant 0 : index
    %get3A_6 = arith.constant 0 : index
    %get3A_7 = vector.load %arg1[%get3A_4, %get3A_5, %get3A_6] : memref<2x2000x128xf32, #tpu.memory_space<vmem>>, vector<1x2000x128xf32>
    %get3A_8 = vector.shape_cast %get3A_7 : vector<1x2000x128xf32> to vector<2000x128xf32>
    %add3A = arith.addf %get3A_3, %get3A_8 : vector<2000x128xf32>
    %get3A_9 = arith.constant 0 : index
    %get3A_10 = arith.constant 0 : index
    %get3A_11 = vector.load %arg2[%get3A_9, %get3A_10] : memref<128x128xf32, #tpu.memory_space<vmem>>, vector<128x128xf32>
    %dot_general3A = arith.constant dense<0.000000e+00> : vector<2000x128xf32>
    %dot_general3A_12 = tpu.matmul %add3A, %get3A_11, %dot_general3A {dimension_numbers = #tpu.dot_dimension_numbers<[1], [0], [0], [1], [0, 0, 1, 1], [], []>, transpose_lhs_hint = false} : vector<2000x128xf32>, vector<128x128xf32>, vector<2000x128xf32> -> vector<2000x128xf32>
    %get3A_13 = arith.constant 0 : index
    %get3A_14 = arith.constant 0 : index
    %get3A_15 = vector.load %arg3[%get3A_13, %get3A_14] : memref<1x128xf32, #tpu.memory_space<vmem>>, vector<1x128xf32>
    %add3A_16 = vector.broadcast %get3A_15 : vector<1x128xf32> to vector<2000x128xf32>
    %add3A_17 = arith.addf %dot_general3A_12, %add3A_16 : vector<2000x128xf32>
    %swap3A = arith.constant 0 : index
    %swap3A_18 = arith.constant 0 : index
    %swap3A_19 = vector.load %arg4[%swap3A, %swap3A_18] : memref<2000x128xf32, #tpu.memory_space<vmem>>, vector<2000x128xf32>
    tpu.vector_store %arg4[%swap3A, %swap3A_18], %add3A_17 {strides = array<i32>} : memref<2000x128xf32, #tpu.memory_space<vmem>>, vector<2000x128xf32>,
    return
  }
  func.func @transform_0(%arg0: i32) -> (i32, i32, i32) {
    %c0_i32 = arith.constant 0 : i32
    %c0_i32_0 = arith.constant 0 : i32
    %c0_i32_1 = arith.constant 0 : i32
    return %c0_i32, %arg0, %c0_i32_0 : i32, i32, i32
  }
  func.func @transform_1(%arg0: i32) -> (i32, i32) {
    %c0_i32 = arith.constant 0 : i32
    %c0_i32_0 = arith.constant 0 : i32
    %c0_i32_1 = arith.constant 0 : i32
    return %c0_i32, %c0_i32_0 : i32, i32
  }
  func.func @transform_2(%arg0: i32) -> (i32, i32) {
    %c0_i32 = arith.constant 0 : i32
    %c0_i32_0 = arith.constant 0 : i32
    %c0_i32_1 = arith.constant 0 : i32
    return %c0_i32, %c0_i32_0 : i32, i32
  }
  func.func @transform_3(%arg0: i32) -> (i32, i32) {
    %c0_i32 = arith.constant 0 : i32
    %c0_i32_0 = arith.constant 0 : i32
    return %arg0, %c0_i32 : i32, i32
  }
}

</mosaic_0001>

<sc_bundles>
// kernel: kernel.4.cloned.1.call-start
scs
__scs_entry_jumppad:
0x0: {  	(pc) =	sbr.rel $0x88, $3  }
0x1: {  	(tag) =	ssettag $0x0;
	lr =	simm.s32 $0x1  }
0x2: {  	[smem:$0x3F9D] =	sst lr;
	_ =	strace $0xD0000000  }
0x3: {  	_ = 	snop  }
0x4: {  	_ = 	snop  }
0x5: {  	_ = 	snop  }
0x6: {  	_ = 	snop  }
0x7: {  	_ = 	snop  }
__scs_overlays_trampoline_lowered:
0x8: {  	[smem:$0x3FAC] =	sst s0  }
0x9: {  	[smem:$0x3FAD] =	sst s1  }
0xa: {  	[smem:$0x3FAE] =	sst s2  }
0xb: {  	[smem:$0x3FAF] =	sst s3  }
0xc: {  	[smem:$0x3FB0] =	sst s4  }
0xd: {  	[smem:$0x3FB1] =	sst s5  }
0xe: {  	[smem:$0x3FB2] =	sst s6  }
0xf: {  	[smem:$0x3FB3] =	sst s7  }
0x10: {  	[smem:$0x3FB4] =	sst s8  }
0x11: {  	[smem:$0x3FB5] =	sst s9;
	s0 =	simm.s32 @!p0 $0x0  }
0x12: {  	s1 =	sld [smem:$0x3F9B];
	s0 =	simm.s32 @p0 $0x1  }
0x13: {  	[smem:$0x3FB6] =	sst s0;
	s0 =	simm.s32 @!p1 $0x0  }
0x14: {  	s2 =	sld [smem:$0x3F9A];
	s0 =	simm.s32 @p1 $0x1  }
0x15: {  	[smem:$0x3FB7] =	sst s0;
	s0 =	simm.s32 @!p2 $0x0  }
0x16: {  	s3 =	sld [smem:$0x3FDB];
	s0 =	simm.s32 @p2 $0x1  }
0x17: {  	s4 =	simm.s32 $0x1BF5;
	[smem:$0x3FB9] =	sst s0  }
0x18: {  	s0 =	sld [smem:$0x3F9C];
	_ =	swait.ge [sflag:s4], $0x0  }
0x19: {  	s7 =	sld [smem:$0x3F9D]  }
0x1a: {  	s8 =	sadd.s32 $0xFFFFE003, lr  }
0x1b: {  	s9 =	sadd.s32 $0xFFFFFEF7, lr;
	s5 =	simm.s32 $0xFFFFFFFF;
	p2 =	slt.u32 s8, $0xFFFFF086  }
0x1c: {  	p1 =	slt.u32 s9, $0xF7A;
	s5 =	simm.s32 @!p2 $0x0  }
0x1d: {  	s5 =	simm.s32 @p1 $0x1;
	p0 =	seq.s32 s7, s2  }
0x1e: {  	s7 =	smul.u32 @!p0 $0xF7A, s2;
	p2 =	seq.s32 @!p0 s5, $0x0  }
0x1f: {  	s9 =	smul.u32 $0xF7A, s1;
	s8 =	simm.s32 @!p0 $0x1BF5;
	p2 =	por !p2, p0  }
0x20: {  	[sflag:s8] =	ssyncset.s32 @!p0 $0xFFFFF086;
	s6 =	sadd.s32 @!p0 s3, s7;
	s7 =	simm.s32 @!p0 $0x108  }
0x21: {  	s3 =	sadd.s32 s3, s9;
	s6 =	sadd.s32 @!p0 $0x88, s6;
	s7 =	simm.s32 @p2 $0x1082  }
0x22: {  	[simem:s7], [sflag:s8] =	dma.local @!p0 [hbm:s6], $0xF7A  }
0x23: {  	s9 =	sor.u32 $0xD0000000, s2;
	s6 =	simm.s32 $0x108;
	_ =	swait.ge @!p0 [sflag:s8], $0x0  }
0x24: {  	s3 =	sadd.s32 $0x88, s3;
	s6 =	simm.s32 @!p1 $0x1082;
	[sflag:s4] =	ssyncset.s32 $0xFFFFF086  }
0x25: {  	[simem:s6], [sflag:s4] =	dma.local [hbm:s3], $0xF7A  }
0x26: {  	[smem:$0x3F9D] =	sst s1;
	(tag) =	ssettag s2;
	_ =	strace s9  }
0x27: {  	s1 =	sld [smem:$0x3FAD]  }
0x28: {  	s2 =	sld [smem:$0x3FAE]  }
0x29: {  	s4 =	sld [smem:$0x3FB0]  }
0x2a: {  	p0 =	seq.s32 s5, $0x0;
	s5 =	sld [smem:$0x3FB1]  }
0x2b: {  	s6 =	sld [smem:$0x3FB2]  }
0x2c: {  	s7 =	sld [smem:$0x3FB3]  }
0x2d: {  	s3 =	simm.s32 $0x108;
	s8 =	sld [smem:$0x3FB4]  }
0x2e: {  	s3 =	simm.s32 @!p0 $0x1082;
	s9 =	sld [smem:$0x3FB5]  }
0x2f: {  	lr =	sadd.s32 s0, s3;
	s0 =	sld [smem:$0x3FAC]  }
0x30: {  	s3 =	sld [smem:$0x3FAF]  }
0x31: {  	[smem:$0x3FB8] =	sst s10  }
0x32: {  	s10 =	sld [smem:$0x3FB6];
	_ =	sdelay $0x3  }
0x33: {  	p0 =	seq.s32 s10, $0x1;
	s10 =	sld [smem:$0x3FB8];
	_ =	sdelay $0x3  }
0x34: {  	[smem:$0x3FB8] =	sst s10  }
0x35: {  	s10 =	sld [smem:$0x3FB7];
	_ =	sdelay $0x3  }
0x36: {  	p1 =	seq.s32 s10, $0x1;
	s10 =	sld [smem:$0x3FB8];
	_ =	sdelay $0x3  }
0x37: {  	[smem:$0x3FB8] =	sst s10  }
0x38: {  	s10 =	sld [smem:$0x3FB9]  }
0x39: {  	_ = 	snop;
	(pc) =	sbr.ind lr, $3  }
0x3a: {  	_ = 	snop  }
0x3b: {  	_ = 	snop  }
0x3c: {  	p2 =	seq.s32 s10, $0x1;
	s10 =	sld [smem:$0x3FB8]  }
0x3d: {  	_ =	shalt  }
0x3e: {  	_ =	shalt  }
0x3f: {  	_ =	shalt  }
0x40: {  	_ =	shalt  }
0x41: {  	_ =	shalt  }
0x42: {  	_ =	shalt  }
0x43: {  	_ =	shalt  }
0x44: {  	_ =	shalt  }
0x45: {  	_ =	shalt  }
0x46: {  	_ =	shalt  }
0x47: {  	_ =	shalt  }
0x48: {  	_ =	shalt  }
0x49: {  	_ =	shalt  }
0x4a: {  	_ =	shalt  }
0x4b: {  	_ =	shalt  }
0x4c: {  	_ =	shalt  }
0x4d: {  	_ =	shalt  }
0x4e: {  	_ =	shalt  }
0x4f: {  	_ =	shalt  }
0x50: {  	_ =	shalt  }
0x51: {  	_ =	shalt  }
0x52: {  	_ =	shalt  }
0x53: {  	_ =	shalt  }
0x54: {  	_ =	shalt  }
0x55: {  	_ =	shalt  }
0x56: {  	_ =	shalt  }
0x57: {  	_ =	shalt  }
0x58: {  	_ =	shalt  }
0x59: {  	_ =	shalt  }
0x5a: {  	_ =	shalt  }
0x5b: {  	_ =	shalt  }
0x5c: {  	_ =	shalt  }
0x5d: {  	_ =	shalt  }
0x5e: {  	_ =	shalt  }
0x5f: {  	_ =	shalt  }
0x60: {  	_ =	shalt  }
0x61: {  	_ =	shalt  }
0x62: {  	_ =	shalt  }
0x63: {  	_ =	shalt  }
0x64: {  	_ =	shalt  }
0x65: {  	_ =	shalt  }
0x66: {  	_ =	shalt  }
0x67: {  	_ =	shalt  }
0x68: {  	_ =	shalt  }
0x69: {  	_ =	shalt  }
0x6a: {  	_ =	shalt  }
0x6b: {  	_ =	shalt  }
0x6c: {  	_ =	shalt  }
0x6d: {  	_ =	shalt  }
0x6e: {  	_ =	shalt  }
0x6f: {  	_ =	shalt  }
0x70: {  	_ =	shalt  }
0x71: {  	_ =	shalt  }
0x72: {  	_ =	shalt  }
0x73: {  	_ =	shalt  }
0x74: {  	_ =	shalt  }
0x75: {  	_ =	shalt  }
0x76: {  	_ =	shalt  }
0x77: {  	_ =	shalt  }
0x78: {  	_ =	shalt  }
0x79: {  	_ =	shalt  }
0x7a: {  	_ =	shalt  }
0x7b: {  	_ =	shalt  }
0x7c: {  	_ =	shalt  }
0x7d: {  	_ =	shalt  }
0x7e: {  	_ =	shalt  }
0x7f: {  	_ =	shalt  }
0x80: {  	_ =	shalt  }
0x81: {  	_ =	shalt  }
0x82: {  	_ =	shalt  }
0x83: {  	_ =	shalt  }
0x84: {  	_ =	shalt  }
0x85: {  	_ =	shalt  }
0x86: {  	_ =	shalt  }
0x87: {  	_ =	shalt  }
.Lfunc_end0:
.L_simem_size_0:
called_computation_lowered:
.L_overlay_start_0:
0x88: {  	s2 =	sld [smem:$0x3FD9]  }
0x89: {  	s3 =	sld [smem:$0x3FFE];
	_ =	sdelay $0x1  }
0x8a: {  	s1 =	srdreg.scid  }
0x8b: {  	s0 =	sand.u32 $0x1, s1  }
0x8c: {  	s17 =	sshll.u32 s0, $0xA;
	s2 =	sadd.s32 s3, s2  }
0x8d: {  	s2 =	sadd.s32 s2, s17  }
0x8e: {  	[smem:$0x3FC4] =	sst s2  }
0x8f: {  	_ = 	snop  }
0x90: {  	s2 =	sld [smem:$0x3FC9]  }
0x91: {  	s18 =	sld [smem:$0x3FD0];
	(tm) =	ssettm $0x1  }
0x92: {  	s4 =	sld [smem:$0x3FFB];
	_ =	sdelay $0x3  }
0x93: {  	_ =	strace s4  }
0x94: {  	s4 =	sld [smem:$0x3FFC];
	_ =	sdelay $0x3  }
0x95: {  	_ =	strace s4  }
0x96: {  	s4 =	sld [smem:$0x3FFD];
	_ =	sdelay $0x3  }
0x97: {  	_ =	strace s4  }
0x98: {  	_ =	strace $0x8FFFFFFF  }
0x99: {  	s19 =	sld [smem:$0x3FDB];
	_ =	sdelay $0x1  }
0x9a: {  	s5 =	simm.s32 $_scs_section_size  }
0x9b: {  	s6 =	simm.s32 $_size__tile_overlayer_lowered;
	s7 =	simm.s32 $_tile_overlayer_lowered  }
0x9c: {  	s22 =	simm.s32 $0x1BFF;
	s21 =	sshll.u32 s7, $0x1;
	s4 =	sadd.s32 s5, s19  }
0x9d: {  	s8 =	simm.s32 $0x0;
	s20 =	sshll.u32 s6, $0x1;
	s6 =	sadd.s32 s21, s4  }
0x9e: {  	[timem:s8], [sflag:s22] =	dma.local [hbm:s6], s20  }
0x9f: {  	_ =	swait.ge [sflag:s22], s20  }
0xa0: {  	s5 =	ssub.s32 $0x0, s20;
	[sflag:s22] =	ssyncset.done $0x0  }
0xa1: {  	[sflag:s22] =	ssyncadd.s32 s5;
	_ =	sdelay $0x1  }
0xa2: {  	s23 =	simm.s32 $0x1B8B  }
0xa3: {  	_ =	swait.ge [sflag:s23], $0x1  }
0xa4: {  	[sflag:s23] =	ssyncset.done $0x0  }
0xa5: {  	s25 =	simm.s32 $0x1B8E;
	s24 =	sld [smem:$0x3FFE];
	[sflag:s23] =	ssyncadd.s32 $0xFFFFFFFF  }
0xa6: {  	s26 =	simm.s32 $execute0_lowered;
	[smem:$0x3FD2] =	sst s25  }
0xa7: {  	s6 =	sshll.u32 s26, $0x1;
	_ =	strace $0x80000046;
	[dreg:$0x1] =	wrdreg $0xFFFFFFFF  }
0xa8: {  	s28 =	simm.s32 $_size_execute0_lowered;
	s4 =	sadd.s32 s4, s6;
	[dreg:$0x0] =	wrdreg $0x0  }
0xa9: {  	s6 =	sshll.u32 s28, $0x1;
	[dreg:$0x2] =	wrdreg s4  }
0xaa: {  	[dreg:$0x3] =	wrdreg s6  }
0xab: {  	[dreg:$0x4] =	wrdreg $0xC0  }
0xac: {  	_ =	task [dreg:s8], $0x5FFFF  }
0xad: {  	[dreg:$0x1] =	wrdreg $0xFFFFFFFF  }
0xae: {  	[dreg:$0x0] =	wrdreg $0x60  }
0xaf: {  	[dreg:$0x2] =	wrdreg s18  }
0xb0: {  	[dreg:$0x3] =	wrdreg s24  }
0xb1: {  	[dreg:$0x4] =	wrdreg s2  }
0xb2: {  	[dreg:$0x5] =	wrdreg $0xA8000  }
0xb3: {  	[dreg:$0x6] =	wrdreg $0x9  }
0xb4: {  	_ =	task.clear_ibuf [dreg:s8], $0x7FFFF;
	_ =	strace $0x90000046  }
0xb5: {  	s29 =	simm.s32 $0x9;
	_ =	strace $0x80000048  }
0xb6: {  	_ =	swait.ge [sflag:s29], $0x1  }
0xb7: {  	[sflag:s29] =	ssyncadd.s32 $0xFFFFFFFF  }
0xb8: {  	_ =	strace $0x90000048  }
0xb9: {  	_ =	sfence  }
0xba: {  	s30 =	sld [smem:$0x0];
	_ =	sdelay $0x2  }
0xbb: {  	s31 =	sshll.u32 s1, $0xD;
	s1 =	sshrl.u32 s1, $0x2  }
0xbc: {  	s3 =	sand.u32 $0x4000, s31;
	s1 =	sadd.s32 s1, s30  }
0xbd: {  	s0 =	sor.u32 s3, s0;
	s1 =	sshll.u32 s1, $0x11  }
0xbe: {  	s0 =	sor.u32 s1, s0  }
0xbf: {  	s0 =	sadd.s32 $0x8F2B, s0  }
0xc0: {  	[sflag:s0] =	ssyncadd.remote.s32 $0x1  }
0xc1: {  	_ =	sfence.sel $0xFFFF  }
0xc2: {  	[dreg:$0x0] =	wrdreg $0xFFFFFFFF;
	(pc) =	sbr.abs _section_cstart, $3  }
0xc3: {  	[dreg:$0x1] =	wrdreg $0xFFFFFFFF  }
0xc4: {  	_ =	task.clear_ibuf [dreg:s8], $0x2FFFF;
	_ =	strace $0x9FFFFFFF  }
0xc5: {  	(tm) =	ssettm $0x7FFFFFFF  }
tec
execute0_lowered:
.L_overlay_start_1:
0x0: {  	(tag) =	ssettag $0x1  }
0x1: {  	s8 =	rddreg [dreg:$0x0]  }
0x2: {  	s5 =	rddreg [dreg:$0x1]  }
0x3: {  	s1 =	rddreg [dreg:$0x2]  }
0x4: {  	s2 =	rddreg [dreg:$0x3]  }
0x5: {  	s3 =	srdreg.scid;
	s0 =	rddreg [dreg:$0x4];
	s4 =	simm.s32 $0x0  }
0x6: {  	s16 =	simm.s32 $0x1400;
	s17 =	simm.s32 $0x1;
	s18 =	simm.s32 $0x2  }
0x7: {  	s19 =	simm.s32 $0x2800;
	s20 =	simm.s32 $0x3;
	s21 =	simm.s32 $0x80  }
0x8: {  	s22 =	simm.s32 $0x6800;
	s23 =	simm.s32 $0x1380;
	s24 =	simm.s32 $0x2700  }
0x9: {  	s25 =	simm.s32 $0x2780;
	s6 =	sand.u32 $0x1, s3;
	s3 =	stileid.u32  }
0xa: {  	s26 =	simm.s32 $0x0;
	[smem:$0x7FF] =	sst s4;
	s7 =	smul.u32 $0x140000, s6  }
0xb: {  	s11 =	sadd.s32 $0x200, s5;
	s9 =	smul.u32 $0x14000, s3;
	s10 =	sshll.u32 s3, $0x1  }
0xc: {  	_ =	strace $0x80000047;
	s12 =	smul.u32 $0x50000, s3;
	s10 =	sor.u32 s6, s10  }
0xd: {  	s6 =	ssub.s32 $0x2, s6;
	s7 =	sadd.s32 s9, s7;
	s28 =	smul.u32 $0x2800, s10  }
0xe: {  	s29 =	sshrl.u32 s6, $0x1;
	s31 =	sshrl.u32 s12, $0x2;
	s7 =	sshrl.u32 s7, $0x3  }
0xf: {  	s14 =	ssub.s32 s6, s29;
	s13 =	sadd.s32 s7, s5;
	s30 =	sshrl.u32 s28, $0x3  }
0x10: {  	s7 =	sadd.s32 s31, s2;
	s5 =	sadd.s32 s8, s30;
	s9 =	sadd.s32 $0x280, s30  }
0x11: {  	s6 =	sadd.s32 s11, s30;
	s10 =	sadd.s32 $0xA200, s13;
	s12 =	sadd.s32 $0x4000, s7  }
0x12: {  	s13 =	sadd.s32 $0x8000, s7;
	s15 =	sadd.s32 $0x10000, s7;
	s8 =	sadd.s32 s8, s9  }
0x13: {  	v0 =	vimm.f32 $0.0e+00;
	s9 =	sadd.s32 s11, s9;
	s11 =	smax.u32 s14, $0x1;
	s14 =	sadd.s32 $0xC000, s7  }
.LBB2_1:
0x14: {  	[tilespmem:s4], [sflag:$0x1] =	stream.linear.gather [hbm4b:s5+s4], $0x1400, $0x38;
	[tilespmem:$0x1E800] =	vst v63  }
0x15: {  	s28 =	simm.s32 $0x0;
	s29 =	simm.s32 $0x200  }
0x16: {  	[tilespmem:s16], [sflag:$0x2] =	stream.linear.gather [hbm4b:s6+s4], $0x1400, $0x38;
	[tilespmem:$0x1E800] =	vst v63  }
.LBB2_2:
0x17: {  	p0 =	sne.s32 s29, $0xFE00;
	[tilespmem:s28+$0x2870] =	vst v0  }
0x18: {  	[tilespmem:s28+$0x2800] =	vst v0  }
0x19: {  	[tilespmem:s28+$0x2810] =	vst v0  }
.Ltmp0:
0x1a: {  	[tilespmem:s28+$0x2820] =	vst v0;
	(pc) =	sbr.rel @p0 .LBB2_2-.Ltmp0, $4  }
0x1b: {  	[tilespmem:s28+$0x2830] =	vst v0  }
0x1c: {  	[tilespmem:s28+$0x2840] =	vst v0  }
0x1d: {  	[tilespmem:s28+$0x2850] =	vst v0  }
0x1e: {  	[tilespmem:s28+$0x2860] =	vst v0;
	s28 =	sshra.s32 s29, $0x2;
	s29 =	sadd.s32 $0x200, s29  }
0x1f: {  	[tilespmem:s28+$0x2870] =	vst v0  }
0x20: {  	[tilespmem:s28+$0x2800] =	vst v0  }
0x21: {  	[tilespmem:s28+$0x2810] =	vst v0  }
0x22: {  	[tilespmem:s28+$0x2820] =	vst v0  }
0x23: {  	[tilespmem:s28+$0x2830] =	vst v0  }
0x24: {  	[tilespmem:s28+$0x2840] =	vst v0  }
0x25: {  	[tilespmem:s28+$0x2850] =	vst v0  }
0x26: {  	[tilespmem:s28+$0x2860] =	vst v0  }
0x27: {  	_ =	swait.ge [sflag:s17], $0x1400  }
0x28: {  	[sflag:s17] =	ssyncset.done $0x0  }
0x29: {  	[sflag:s17] =	ssyncadd.s32 $0xFFFFEC00  }
0x2a: {  	_ =	swait.ge [sflag:s18], $0x1400  }
0x2b: {  	[sflag:s18] =	ssyncset.done $0x0  }
0x2c: {  	[sflag:s18] =	ssyncadd.s32 $0xFFFFEC00  }
0x2d: {  	[spmem:s7] =	stream.linear.scatter [tilespmem:s19], [sflag:$0x3], $0x4000, $0x38;
	[tilespmem:$0x1E800] =	vst v63  }
0x2e: {  	_ =	swait.ge [sflag:s20], $0x4000  }
0x2f: {  	[sflag:s20] =	ssyncset.done $0x0  }
0x30: {  	[sflag:s20] =	ssyncadd.s32 $0xFFFFC000  }
0x31: {  	[spmem:s12] =	stream.linear.scatter [tilespmem:s19], [sflag:$0x3], $0x4000, $0x38;
	[tilespmem:$0x1E800] =	vst v63  }
0x32: {  	_ =	swait.ge [sflag:s20], $0x4000  }
0x33: {  	[sflag:s20] =	ssyncset.done $0x0  }
0x34: {  	[sflag:s20] =	ssyncadd.s32 $0xFFFFC000  }
0x35: {  	[spmem:s13] =	stream.linear.scatter [tilespmem:s19], [sflag:$0x3], $0x4000, $0x38;
	[tilespmem:$0x1E800] =	vst v63  }
0x36: {  	_ =	swait.ge [sflag:s20], $0x4000  }
0x37: {  	[sflag:s20] =	ssyncset.done $0x0  }
0x38: {  	[sflag:s20] =	ssyncadd.s32 $0xFFFFC000  }
0x39: {  	[spmem:s14] =	stream.linear.scatter [tilespmem:s19], [sflag:$0x3], $0x4000, $0x38;
	[tilespmem:$0x1E800] =	vst v63  }
0x3a: {  	_ =	swait.ge [sflag:s20], $0x4000  }
0x3b: {  	[sflag:s20] =	ssyncset.done $0x0  }
0x3c: {  	[sflag:s20] =	ssyncadd.s32 $0xFFFFC000  }
0x3d: {  	[spmem:s15] =	stream.linear.scatter [tilespmem:s19], [sflag:$0x3], $0x4000, $0x38;
	[tilespmem:$0x1E800] =	vst v63  }
0x3e: {  	_ =	swait.ge [sflag:s20], $0x4000  }
0x3f: {  	[sflag:s20] =	ssyncset.done $0x0  }
0x40: {  	s28 =	simm.s32 $0x0;
	[sflag:s20] =	ssyncadd.s32 $0xFFFFC000  }
0x41: {  	[tilespmem:s19], [sflag:$0x1] =	stream.indirect.gather [hbm4b:s1+s21], $0x80, s28, s21, $0xb8;
	[tilespmem:$0x1E800] =	vst v63  }
0x42: {  	[bflag:$0x0] =	sbarrier.arrive $0xFFFF  }
0x43: {  	_ =	swait.ge [sflag:s17], $0x4000  }
0x44: {  	[sflag:s17] =	ssyncset.done $0x0  }
0x45: {  	s28 =	simm.s32 $0x80;
	[sflag:s17] =	ssyncadd.s32 $0xFFFFC000  }
0x46: {  	[tilespmem:s22], [sflag:$0x2] =	stream.indirect.gather [hbm4b:s1+s21], $0x80, s28, s21, $0xb8;
	[tilespmem:$0x1E800] =	vst v63  }
0x47: {  	s28 =	simm.s32 $0x1400  }
0x48: {  	[spmem:s2] =	stream.indirect.scatter.add.f32 [tilespmem:s19], [sflag:$0x3], $0x80, s28, s21, $0xb8;
	[tilespmem:$0x1E800] =	vst v63  }
0x49: {  	_ =	swait.ge [sflag:s20], $0x4000  }
0x4a: {  	[sflag:s20] =	ssyncset.done $0x0  }
0x4b: {  	s28 =	simm.s32 $0x100;
	[sflag:s20] =	ssyncadd.s32 $0xFFFFC000  }
0x4c: {  	[tilespmem:s19], [sflag:$0x1] =	stream.indirect.gather [hbm4b:s1+s21], $0x80, s28, s21, $0xb8;
	[tilespmem:$0x1E800] =	vst v63  }
0x4d: {  	_ =	swait.ge [sflag:s18], $0x4000  }
0x4e: {  	[sflag:s18] =	ssyncset.done $0x0  }
0x4f: {  	s28 =	simm.s32 $0x1480;
	[sflag:s18] =	ssyncadd.s32 $0xFFFFC000  }
0x50: {  	[spmem:s2] =	stream.indirect.scatter.add.f32 [tilespmem:s22], [sflag:$0x3], $0x80, s28, s21, $0xb8;
	[tilespmem:$0x1E800] =	vst v63  }
0x51: {  	_ =	swait.ge [sflag:s20], $0x4000  }
0x52: {  	s28 =	simm.s32 $0x400;
	[sflag:s20] =	ssyncset.done $0x0  }
.LBB2_4:
0x53: {  	p0 =	sne.s32 s28, $0x4800  }
0x54: {  	[sflag:s20] =	ssyncadd.s32 $0xFFFFC000;
	s29 =	smov.u32 s28;
	s28 =	sadd.s32 $0x400, s28  }
0x55: {  	_ =	swait.ge [sflag:s17], $0x4000  }
0x56: {  	s29 =	sshra.s32 s29, $0x2;
	[sflag:s17] =	ssyncset.done $0x0  }
0x57: {  	s30 =	sadd.s32 $0x80, s29;
	[sflag:s17] =	ssyncadd.s32 $0xFFFFC000  }
0x58: {  	[tilespmem:s22], [sflag:$0x2] =	stream.indirect.gather [hbm4b:s1+s21], $0x80, s30, s21, $0xb8;
	[tilespmem:$0x1E800] =	vst v63  }
0x59: {  	s30 =	sadd.s32 $0x1400, s29  }
0x5a: {  	[spmem:s2] =	stream.indirect.scatter.add.f32 [tilespmem:s19], [sflag:$0x3], $0x80, s30, s21, $0xb8;
	[tilespmem:$0x1E800] =	vst v63  }
0x5b: {  	_ =	swait.ge [sflag:s20], $0x4000  }
0x5c: {  	[sflag:s20] =	ssyncset.done $0x0  }
0x5d: {  	s30 =	sadd.s32 $0x100, s29;
	[sflag:s20] =	ssyncadd.s32 $0xFFFFC000  }
0x5e: {  	[tilespmem:s19], [sflag:$0x1] =	stream.indirect.gather [hbm4b:s1+s21], $0x80, s30, s21, $0xb8;
	[tilespmem:$0x1E800] =	vst v63  }
0x5f: {  	_ =	swait.ge [sflag:s18], $0x4000  }
.Ltmp1:
0x60: {  	[sflag:s18] =	ssyncset.done $0x0;
	(pc) =	sbr.rel @p0 .LBB2_4-.Ltmp1, $4  }
0x61: {  	s29 =	sadd.s32 $0x1480, s29;
	[sflag:s18] =	ssyncadd.s32 $0xFFFFC000  }
0x62: {  	[spmem:s2] =	stream.indirect.scatter.add.f32 [tilespmem:s22], [sflag:$0x3], $0x80, s29, s21, $0xb8;
	[tilespmem:$0x1E800] =	vst v63  }
0x63: {  	_ =	swait.ge [sflag:s20], $0x4000  }
0x64: {  	[sflag:s20] =	ssyncset.done $0x0  }
0x65: {  	[sflag:s20] =	ssyncadd.s32 $0xFFFFC000  }
0x66: {  	_ =	swait.ge [sflag:s17], $0x4000  }
0x67: {  	[sflag:s17] =	ssyncset.done $0x0  }
0x68: {  	[sflag:s17] =	ssyncadd.s32 $0xFFFFC000  }
0x69: {  	[tilespmem:s22], [sflag:$0x2] =	stream.indirect.gather [hbm4b:s1+s21], $0x80, s23, s21, $0xb8;
	[tilespmem:$0x1E800] =	vst v63  }
0x6a: {  	_ = 	snop  }
0x6b: {  	[spmem:s2] =	stream.indirect.scatter.add.f32 [tilespmem:s19], [sflag:$0x3], $0x80, s24, s21, $0xb8;
	[tilespmem:$0x1E800] =	vst v63  }
0x6c: {  	_ =	swait.ge [sflag:s20], $0x4000  }
0x6d: {  	[sflag:s20] =	ssyncset.done $0x0  }
0x6e: {  	[sflag:s20] =	ssyncadd.s32 $0xFFFFC000  }
0x6f: {  	_ =	swait.ge [sflag:s18], $0x4000  }
0x70: {  	[sflag:s18] =	ssyncset.done $0x0  }
0x71: {  	[sflag:s18] =	ssyncadd.s32 $0xFFFFC000  }
0x72: {  	[spmem:s2] =	stream.indirect.scatter.add.f32 [tilespmem:s22], [sflag:$0x3], $0x80, s25, s21, $0xb8;
	[tilespmem:$0x1E800] =	vst v63  }
0x73: {  	_ =	swait.ge [sflag:s20], $0x4000  }
0x74: {  	[sflag:s20] =	ssyncset.done $0x0  }
0x75: {  	s28 =	simm.s32 $0x0;
	[sflag:s20] =	ssyncadd.s32 $0xFFFFC000  }
0x76: {  	[tilespmem:s28], [sflag:$0x3] =	stream.linear.gather [hbm4b:s8+s28], $0x1400, $0x38;
	[tilespmem:$0x1E800] =	vst v63  }
0x77: {  	_ =	swait.ge [sflag:s20], $0x1400  }
0x78: {  	[sflag:s20] =	ssyncset.done $0x0  }
0x79: {  	[sflag:s20] =	ssyncadd.s32 $0xFFFFEC00  }
0x7a: {  	[tilespmem:s16], [sflag:$0x3] =	stream.linear.gather [hbm4b:s9+s28], $0x1400, $0x38;
	[tilespmem:$0x1E800] =	vst v63  }
0x7b: {  	_ =	swait.ge [sflag:s20], $0x1400  }
0x7c: {  	[sflag:s20] =	ssyncset.done $0x0  }
0x7d: {  	[sflag:s20] =	ssyncadd.s32 $0xFFFFEC00  }
0x7e: {  	[tilespmem:s19], [sflag:$0x1] =	stream.indirect.gather [hbm4b:s1+s21], $0x80, s28, s21, $0xb8;
	[tilespmem:$0x1E800] =	vst v63  }
0x7f: {  	_ =	swait.ge [sflag:s17], $0x4000  }
0x80: {  	[sflag:s17] =	ssyncset.done $0x0  }
0x81: {  	s28 =	simm.s32 $0x80;
	[sflag:s17] =	ssyncadd.s32 $0xFFFFC000  }
0x82: {  	[tilespmem:s22], [sflag:$0x2] =	stream.indirect.gather [hbm4b:s1+s21], $0x80, s28, s21, $0xb8;
	[tilespmem:$0x1E800] =	vst v63  }
0x83: {  	s28 =	simm.s32 $0x1400  }
0x84: {  	[spmem:s2] =	stream.indirect.scatter.add.f32 [tilespmem:s19], [sflag:$0x3], $0x80, s28, s21, $0xb8;
	[tilespmem:$0x1E800] =	vst v63  }
0x85: {  	_ =	swait.ge [sflag:s20], $0x4000  }
0x86: {  	[sflag:s20] =	ssyncset.done $0x0  }
0x87: {  	s28 =	simm.s32 $0x100;
	[sflag:s20] =	ssyncadd.s32 $0xFFFFC000  }
0x88: {  	[tilespmem:s19], [sflag:$0x1] =	stream.indirect.gather [hbm4b:s1+s21], $0x80, s28, s21, $0xb8;
	[tilespmem:$0x1E800] =	vst v63  }
0x89: {  	_ =	swait.ge [sflag:s18], $0x4000  }
0x8a: {  	[sflag:s18] =	ssyncset.done $0x0  }
0x8b: {  	s28 =	simm.s32 $0x1480;
	[sflag:s18] =	ssyncadd.s32 $0xFFFFC000  }
0x8c: {  	[spmem:s2] =	stream.indirect.scatter.add.f32 [tilespmem:s22], [sflag:$0x3], $0x80, s28, s21, $0xb8;
	[tilespmem:$0x1E800] =	vst v63  }
0x8d: {  	_ =	swait.ge [sflag:s20], $0x4000  }
0x8e: {  	s28 =	simm.s32 $0x400;
	[sflag:s20] =	ssyncset.done $0x0  }
.LBB2_6:
0x8f: {  	p0 =	sne.s32 s28, $0x4800  }
0x90: {  	[sflag:s20] =	ssyncadd.s32 $0xFFFFC000;
	s29 =	smov.u32 s28;
	s28 =	sadd.s32 $0x400, s28  }
0x91: {  	_ =	swait.ge [sflag:s17], $0x4000  }
0x92: {  	s29 =	sshra.s32 s29, $0x2;
	[sflag:s17] =	ssyncset.done $0x0  }
0x93: {  	s30 =	sadd.s32 $0x80, s29;
	[sflag:s17] =	ssyncadd.s32 $0xFFFFC000  }
0x94: {  	[tilespmem:s22], [sflag:$0x2] =	stream.indirect.gather [hbm4b:s1+s21], $0x80, s30, s21, $0xb8;
	[tilespmem:$0x1E800] =	vst v63  }
0x95: {  	s30 =	sadd.s32 $0x1400, s29  }
0x96: {  	[spmem:s2] =	stream.indirect.scatter.add.f32 [tilespmem:s19], [sflag:$0x3], $0x80, s30, s21, $0xb8;
	[tilespmem:$0x1E800] =	vst v63  }
0x97: {  	_ =	swait.ge [sflag:s20], $0x4000  }
0x98: {  	[sflag:s20] =	ssyncset.done $0x0  }
0x99: {  	s30 =	sadd.s32 $0x100, s29;
	[sflag:s20] =	ssyncadd.s32 $0xFFFFC000  }
0x9a: {  	[tilespmem:s19], [sflag:$0x1] =	stream.indirect.gather [hbm4b:s1+s21], $0x80, s30, s21, $0xb8;
	[tilespmem:$0x1E800] =	vst v63  }
0x9b: {  	_ =	swait.ge [sflag:s18], $0x4000  }
.Ltmp2:
0x9c: {  	[sflag:s18] =	ssyncset.done $0x0;
	(pc) =	sbr.rel @p0 .LBB2_6-.Ltmp2, $4  }
0x9d: {  	s29 =	sadd.s32 $0x1480, s29;
	[sflag:s18] =	ssyncadd.s32 $0xFFFFC000  }
0x9e: {  	[spmem:s2] =	stream.indirect.scatter.add.f32 [tilespmem:s22], [sflag:$0x3], $0x80, s29, s21, $0xb8;
	[tilespmem:$0x1E800] =	vst v63  }
0x9f: {  	_ =	swait.ge [sflag:s20], $0x4000  }
0xa0: {  	[sflag:s20] =	ssyncset.done $0x0  }
0xa1: {  	[sflag:s20] =	ssyncadd.s32 $0xFFFFC000  }
0xa2: {  	_ =	swait.ge [sflag:s17], $0x4000  }
0xa3: {  	[sflag:s17] =	ssyncset.done $0x0  }
0xa4: {  	[sflag:s17] =	ssyncadd.s32 $0xFFFFC000  }
0xa5: {  	[tilespmem:s22], [sflag:$0x2] =	stream.indirect.gather [hbm4b:s1+s21], $0x80, s23, s21, $0xb8;
	[tilespmem:$0x1E800] =	vst v63  }
0xa6: {  	_ = 	snop  }
0xa7: {  	[spmem:s2] =	stream.indirect.scatter.add.f32 [tilespmem:s19], [sflag:$0x3], $0x80, s24, s21, $0xb8;
	[tilespmem:$0x1E800] =	vst v63  }
0xa8: {  	_ =	swait.ge [sflag:s20], $0x4000  }
0xa9: {  	[sflag:s20] =	ssyncset.done $0x0  }
0xaa: {  	[sflag:s20] =	ssyncadd.s32 $0xFFFFC000  }
0xab: {  	_ =	swait.ge [sflag:s18], $0x4000  }
0xac: {  	[sflag:s18] =	ssyncset.done $0x0  }
0xad: {  	[sflag:s18] =	ssyncadd.s32 $0xFFFFC000  }
0xae: {  	[spmem:s2] =	stream.indirect.scatter.add.f32 [tilespmem:s22], [sflag:$0x3], $0x80, s25, s21, $0xb8;
	[tilespmem:$0x1E800] =	vst v63  }
0xaf: {  	_ =	swait.ge [sflag:s20], $0x4000  }
0xb0: {  	s28 =	sshll.u32 s3, $0x6;
	s26 =	sadd.s32 $0x1, s26;
	[sflag:s20] =	ssyncset.done $0x0  }
0xb1: {  	s29 =	sshrl.u32 s7, $0x3;
	p0 =	sne.s32 s26, s11;
	[sflag:s20] =	ssyncadd.s32 $0xFFFFC000  }
.Ltmp3:
0xb2: {  	s28 =	sor.u32 $0x1C03, s28;
	[bflag:$0x0] =	sbarrier.arrive $0xFFFF;
	(pc) =	sbr.rel @p0 .LBB2_1-.Ltmp3, $4  }
0xb3: {  	[hbm:s10], [sflag:s28] =	dma.local [spmem:s29], $0x2800  }
0xb4: {  	_ =	swait.ge [sflag:s20], $0x2800  }
0xb5: {  	[sflag:s20] =	ssyncset.done $0x0  }
0xb6: {  	[sflag:s20] =	ssyncadd.s32 $0xFFFFD800  }
0xb7: {  	_ =	sfence.sel $0x180000  }
0xb8: {  	[bflag:$0x0] =	sbarrier.arrive $0xFFFF  }
0xb9: {  	p0 =	sne.s32 s3, $0x0;
	_ =	strace $0x90000047  }
0xba: {  	s0 =	sadd.s32 @!p0 $0x100000, s0;
	[bflag:$0x2] =	sbarrier.arrive $0xFFFF  }
0xbb: {  	[sflag:s0] =	ssyncadd.tile.s32 @!p0 $0x1;
	_ =	shalt  }
.Lfunc_end2:
_tile_overlayer_lowered:
.L_overlay_start_2:
0xbc: {  	(tag) =	ssettag $0x2  }
0xbd: {  	s0 =	rddreg [dreg:$0x0];
	s2 =	stileid.u32  }
0xbe: {  	s1 =	rddreg [dreg:$0x1];
	p0 =	sne.s32 s2, $0x0  }
0xbf: {  	s3 =	rddreg [dreg:$0x2];
	[bflag:$0x3] =	sbarrier.arrive $0xFFFF;
	s2 =	simm.s32 @!p0 $0x1C03  }
0xc0: {  	[timem:s3], [sflag:s2] =	dma.local @!p0 [hbm:s0], s1  }
0xc1: {  	s0 =	simm.s32 @!p0 $0x3  }
0xc2: {  	_ =	swait.ge @!p0 [sflag:s0], s1  }
0xc3: {  	s1 =	ssub.s32 @!p0 $0x0, s1;
	[sflag:s0] =	ssyncset.done @!p0 $0x0  }
0xc4: {  	[sflag:s0] =	ssyncadd.s32 @!p0 s1  }
0xc5: {  	[bflag:$0x3] =	sbarrier.arrive $0xFFFF  }
0xc6: {  	_ =	shalt  }

</sc_bundles>
